<compile_context>
chip_gen: v7x
topology: tpu7x:2x2x1
jax: 0.10.2.dev20260603
libtpu: 0.0.44.dev20260713+nightly
codegen_flags: <defaults>
</compile_context>

<pallas_src>
import functools

import jax
import jax.numpy as jnp
from jax import lax
from jax.experimental import pallas as pl
from jax.experimental.pallas import tpu as pltpu
from jax.experimental.pallas import tpu_sc as plsc

NNZ_PER_ROW = 7
ROWS_PER_CHUNK = 8
IDX_PER_CHUNK = NNZ_PER_ROW * ROWS_PER_CHUNK
LANES = 16


def _sc_spmm(xt, cols_t, vals_t, iters, n_workers, num_cores, d):
    d_groups = d // LANES
    idx_per_tile = iters * IDX_PER_CHUNK
    w_per_tile = idx_per_tile + LANES
    mesh = plsc.VectorSubcoreMesh(core_axis_name="c", subcore_axis_name="s")

    @functools.partial(
        pl.kernel,
        mesh=mesh,
        out_type=jax.ShapeDtypeStruct(
            (n_workers * iters * ROWS_PER_CHUNK, d), jnp.float32),
        scratch_types=[
            pltpu.VMEM((idx_per_tile,), jnp.int32),
            pltpu.VMEM((w_per_tile,), jnp.float32),
            pltpu.VMEM((2, IDX_PER_CHUNK, d), jnp.float32),
            pltpu.VMEM((ROWS_PER_CHUNK, d), jnp.float32),
            pltpu.SemaphoreType.DMA,
            pltpu.SemaphoreType.DMA,
        ],
    )
    def k(xt_hbm, cols_hbm, vals_hbm, out_hbm, idx_v, w_v, gath_v, outc_v,
          gsem0, gsem1):
        wid = lax.axis_index("s") * num_cores + lax.axis_index("c")
        gsems = (gsem0, gsem1)

        pltpu.sync_copy(cols_hbm.at[pl.ds(wid * idx_per_tile, idx_per_tile)],
                        idx_v)
        pltpu.sync_copy(vals_hbm.at[pl.ds(wid * w_per_tile, w_per_tile)],
                        w_v)

        def gather_desc(i, p):
            return pltpu.make_async_copy(
                xt_hbm.at[idx_v.at[pl.ds(i * IDX_PER_CHUNK, IDX_PER_CHUNK)]],
                gath_v.at[p], gsems[p])

        def compute(i, p):
            gb = gath_v.at[p]

            def row_body(j, _):
                base = j * NNZ_PER_ROW
                w_vec = w_v[pl.ds(i * IDX_PER_CHUNK + base, LANES)]

                def col_body(v, _):
                    sl = pl.ds(v * LANES, LANES)
                    acc = w_vec[0] * gb[base, sl]
                    for kk in range(1, NNZ_PER_ROW):
                        acc = acc + w_vec[kk] * gb[base + kk, sl]
                    outc_v[j, sl] = acc
                    return 0

                lax.fori_loop(0, d_groups, col_body, 0, unroll=2)
                return 0

            lax.fori_loop(0, ROWS_PER_CHUNK, row_body, 0)
            c = i * n_workers + wid
            pltpu.sync_copy(
                outc_v,
                out_hbm.at[pl.ds(c * ROWS_PER_CHUNK, ROWS_PER_CHUNK)])

        gather_desc(0, 0).start()
        gather_desc(1, 1).start()

        def chunk_pair(i2, _):
            for p in range(2):
                i = i2 + p
                gather_desc(i, p).wait()
                compute(i, p)

                @pl.when(i + 2 < iters)
                def _():
                    gather_desc(i + 2, p).start()
            return 0

        assert iters % 2 == 0
        lax.fori_loop(0, iters // 2, lambda h, a: chunk_pair(h * 2, a), 0)

    return k(xt, cols_t, vals_t)


def kernel(x, va_rows, va_cols, va_vals):
    b, ch, v_in = x.shape
    d = b * ch
    nnz = va_cols.shape[0]
    v_out = nnz // NNZ_PER_ROW

    info = plsc.get_sparse_core_info()
    n_workers = info.num_cores * info.num_subcores
    n_chunks = (v_out + ROWS_PER_CHUNK - 1) // ROWS_PER_CHUNK
    iters = (n_chunks + n_workers - 1) // n_workers
    iters = iters + (iters % 2)
    n_chunks_pad = iters * n_workers
    pad = n_chunks_pad * IDX_PER_CHUNK - nnz

    xt = jnp.transpose(x.reshape(d, v_in))

    cols_p = jnp.concatenate([va_cols, jnp.zeros((pad,), jnp.int32)])
    vals_p = jnp.concatenate([va_vals, jnp.zeros((pad,), jnp.float32)])
    cols_t = jnp.transpose(
        cols_p.reshape(iters, n_workers, IDX_PER_CHUNK),
        (1, 0, 2)).reshape(n_workers * iters * IDX_PER_CHUNK)
    vals_t = jnp.pad(
        jnp.transpose(vals_p.reshape(iters, n_workers, IDX_PER_CHUNK),
                      (1, 0, 2)).reshape(n_workers, iters * IDX_PER_CHUNK),
        ((0, 0), (0, LANES))).reshape(-1)

    out_t = _sc_spmm(xt, cols_t, vals_t, iters, n_workers, info.num_cores, d)
    return jnp.transpose(out_t[:v_out]).reshape(b, ch, v_out)

# --- scband reference (transcript-rebuilt; emitter-appended) ---
"""Pipeline reference for scband-average-down-samp-11802570130361 (READ-ONLY COPY).

The authoritative reference and input builder live on the scoring server;
editing this copy changes nothing except your own understanding.
"""

import jax, jax.numpy as jnp
import numpy as np

V_IN = 40962   # lvl-6 icosahedral mesh vertices
V_OUT = 10242  # lvl-5 icosahedral mesh vertices
NNZ_PER_ROW = 7
B = 4
C = 256


def setup_inputs(seed: int = 0) -> dict:
    key = jax.random.key(seed)
    k1, k2 = jax.random.split(key, 2)
    x = jax.random.normal(k1, (B, C, V_IN), dtype=jnp.float32)
    # Sparse downsample matrix VA in COO form: each output vertex averages
    # itself + 6 neighbors on the finer mesh (7 nnz per row).
    va_rows = jnp.repeat(jnp.arange(V_OUT, dtype=jnp.int32), NNZ_PER_ROW)
    va_cols = jax.random.randint(k2, (V_OUT * NNZ_PER_ROW,), 0, V_IN, dtype=jnp.int32)
    va_vals = jnp.full((V_OUT * NNZ_PER_ROW,), 1.0 / NNZ_PER_ROW, dtype=jnp.float32)
    return {"x": x, "va_rows": va_rows, "va_cols": va_cols, "va_vals": va_vals}


def reference(x, va_rows, va_cols, va_vals):
    # Faithful translation of spmatmul(x, VA):
    #   den [B, C, nv] -> permute(2,1,0).view(nv, -1); res = spmm(VA, den)
    #   -> view(V_out, C, B).permute(2,1,0) => out [B, C, V_out]
    # COO SpMM = gather columns of x, scale by vals, scatter-add into rows.
    gathered = x[:, :, va_cols] * va_vals            # [B, C, nnz]
    data = jnp.transpose(gathered, (2, 0, 1))        # [nnz, B, C]
    out = jax.ops.segment_sum(data, va_rows, num_segments=V_OUT)  # [V_out, B, C]
    return jnp.transpose(out, (1, 2, 0))             # [B, C, V_out]

if __name__ == "__main__":
    import jax
    _d = setup_inputs()
    print(jax.jit(kernel)(*tuple(_d.values())))

</pallas_src>

<mosaic_0001>
#map = affine_map<(d0, d1) -> (0, 0)>
#map1 = affine_map<(d0, d1) -> (0)>
module attributes {stable_mosaic.version = 14 : i64} {
  func.func @k(%arg0: i32, %arg1: i32, %arg2: memref<40962x1024xf32, #tpu.memory_space<hbm>>, %arg3: memref<75264xi32, #tpu.memory_space<hbm>>, %arg4: memref<75776xf32, #tpu.memory_space<hbm>>, %arg5: memref<10752x1024xf32, #tpu.memory_space<hbm>>, %arg6: memref<2352xi32, #tpu.memory_space<vmem>>, %arg7: memref<2368xf32, #tpu.memory_space<vmem>>, %arg8: memref<2x56x1024xf32, #tpu.memory_space<vmem>>, %arg9: memref<8x1024xf32, #tpu.memory_space<vmem>>, %arg10: memref<!tpu.dma_semaphore, #tpu.memory_space<semaphore_mem>>, %arg11: memref<!tpu.dma_semaphore, #tpu.memory_space<semaphore_mem>>) attributes {dimension_semantics = [#tpu.dimension_semantics<core_parallel>, #tpu.dimension_semantics<subcore_parallel>], iteration_bounds = array<i64: 2, 16>, scalar_prefetch = 0 : i64, scratch_operands = 6 : i64, tpu.core_type = #tpu.core_type<sc_vector_subcore>, window_params = [{transform_indices = #map}, {transform_indices = #map1}, {transform_indices = #map1}, {transform_indices = #map}]} {
    %mul3A = arith.constant 2 : i32
    %mul3A_0 = arith.muli %arg1, %mul3A : i32
    %add3A = arith.addi %mul3A_0, %arg0 : i32
    %mul3A_1 = arith.constant 2352 : i32
    %mul3A_2 = arith.muli %add3A, %mul3A_1 : i32
    "tpu.region"() ({
      %run_scoped3A = tpu.sem_alloc : memref<!tpu.dma_semaphore, #tpu.memory_space<semaphore_mem>>
      %dma_start3A_30 = tpu.memref_slice %arg3[%mul3A_2] : memref<75264xi32, #tpu.memory_space<hbm>> -> memref<2352xi32, #tpu.memory_space<hbm>>
      %dma_start3A_31 = tpu.memref_slice %arg3[%mul3A_2] : memref<75264xi32, #tpu.memory_space<hbm>> -> memref<2352xi32, #tpu.memory_space<hbm>>
      tpu.enqueue_dma source(%dma_start3A_31 : memref<2352xi32, #tpu.memory_space<hbm>>) target(%arg6 : memref<2352xi32, #tpu.memory_space<vmem>>) target_semaphore(%run_scoped3A : memref<!tpu.dma_semaphore, #tpu.memory_space<semaphore_mem>>)
      %dma_wait3A = tpu.memref_slice %arg3[%mul3A_2] : memref<75264xi32, #tpu.memory_space<hbm>> -> memref<2352xi32, #tpu.memory_space<hbm>>
      %dma_wait3A_32 = tpu.memref_slice %arg3[%mul3A_2] : memref<75264xi32, #tpu.memory_space<hbm>> -> memref<2352xi32, #tpu.memory_space<hbm>>
      tpu.wait_dma2 semaphore(%run_scoped3A : memref<!tpu.dma_semaphore, #tpu.memory_space<semaphore_mem>>) src(%dma_wait3A_32 : memref<2352xi32, #tpu.memory_space<hbm>>) dst(%arg6 : memref<2352xi32, #tpu.memory_space<vmem>>)
      tpu.yield
    }) : () -> ()
    %mul3A_3 = arith.constant 2368 : i32
    %mul3A_4 = arith.muli %add3A, %mul3A_3 : i32
    "tpu.region"() ({
      %run_scoped3A = tpu.sem_alloc : memref<!tpu.dma_semaphore, #tpu.memory_space<semaphore_mem>>
      %dma_start3A_30 = tpu.memref_slice %arg4[%mul3A_4] : memref<75776xf32, #tpu.memory_space<hbm>> -> memref<2368xf32, #tpu.memory_space<hbm>>
      %dma_start3A_31 = tpu.memref_slice %arg4[%mul3A_4] : memref<75776xf32, #tpu.memory_space<hbm>> -> memref<2368xf32, #tpu.memory_space<hbm>>
      tpu.enqueue_dma source(%dma_start3A_31 : memref<2368xf32, #tpu.memory_space<hbm>>) target(%arg7 : memref<2368xf32, #tpu.memory_space<vmem>>) target_semaphore(%run_scoped3A : memref<!tpu.dma_semaphore, #tpu.memory_space<semaphore_mem>>)
      %dma_wait3A = tpu.memref_slice %arg4[%mul3A_4] : memref<75776xf32, #tpu.memory_space<hbm>> -> memref<2368xf32, #tpu.memory_space<hbm>>
      %dma_wait3A_32 = tpu.memref_slice %arg4[%mul3A_4] : memref<75776xf32, #tpu.memory_space<hbm>> -> memref<2368xf32, #tpu.memory_space<hbm>>
      tpu.wait_dma2 semaphore(%run_scoped3A : memref<!tpu.dma_semaphore, #tpu.memory_space<semaphore_mem>>) src(%dma_wait3A_32 : memref<2368xf32, #tpu.memory_space<hbm>>) dst(%arg7 : memref<2368xf32, #tpu.memory_space<vmem>>)
      tpu.yield
    }) : () -> ()
    %dma_start3A = arith.constant 0 : i32
    %dma_start3A_5 = arith.constant 0 : i32
    %dma_start3A_6 = arith.constant 0 : i32
    %dma_start3A_7 = tpu.memref_slice %arg8[%dma_start3A, %dma_start3A_5, %dma_start3A_6] : memref<2x56x1024xf32, #tpu.memory_space<vmem>> -> memref<1x56x1024xf32, #tpu.memory_space<vmem>>
    %dma_start3A_8 = tpu.memref_squeeze %dma_start3A_7 : memref<1x56x1024xf32, #tpu.memory_space<vmem>> -> memref<56x1024xf32, #tpu.memory_space<vmem>>
    %dma_start3A_9 = arith.constant 0 : i32
    %dma_start3A_10 = tpu.memref_slice %arg6[%dma_start3A_9] : memref<2352xi32, #tpu.memory_space<vmem>> -> memref<56xi32, #tpu.memory_space<vmem>>
    %dma_start3A_11 = arith.constant 0 : i32
    %dma_start3A_12 = arith.constant 0 : i32
    %dma_start3A_13 = tpu.memref_slice %arg2[%dma_start3A_11, %dma_start3A_12] : memref<40962x1024xf32, #tpu.memory_space<hbm>> -> memref<40962x1024xf32, #tpu.memory_space<hbm>>
    tpu.enqueue_indirect_dma source(%dma_start3A_13 : memref<40962x1024xf32, #tpu.memory_space<hbm>>) target(%dma_start3A_8 : memref<56x1024xf32, #tpu.memory_space<vmem>>) offsets(%dma_start3A_10 : memref<56xi32, #tpu.memory_space<vmem>>) semaphore(%arg10 : memref<!tpu.dma_semaphore, #tpu.memory_space<semaphore_mem>>)
    %dma_start3A_14 = arith.constant 1 : i32
    %dma_start3A_15 = arith.constant 0 : i32
    %dma_start3A_16 = arith.constant 0 : i32
    %dma_start3A_17 = tpu.memref_slice %arg8[%dma_start3A_14, %dma_start3A_15, %dma_start3A_16] : memref<2x56x1024xf32, #tpu.memory_space<vmem>> -> memref<1x56x1024xf32, #tpu.memory_space<vmem>>
    %dma_start3A_18 = tpu.memref_squeeze %dma_start3A_17 : memref<1x56x1024xf32, #tpu.memory_space<vmem>> -> memref<56x1024xf32, #tpu.memory_space<vmem>>
    %dma_start3A_19 = arith.constant 56 : i32
    %dma_start3A_20 = tpu.memref_slice %arg6[%dma_start3A_19] : memref<2352xi32, #tpu.memory_space<vmem>> -> memref<56xi32, #tpu.memory_space<vmem>>
    %dma_start3A_21 = arith.constant 0 : i32
    %dma_start3A_22 = arith.constant 0 : i32
    %dma_start3A_23 = tpu.memref_slice %arg2[%dma_start3A_21, %dma_start3A_22] : memref<40962x1024xf32, #tpu.memory_space<hbm>> -> memref<40962x1024xf32, #tpu.memory_space<hbm>>
    tpu.enqueue_indirect_dma source(%dma_start3A_23 : memref<40962x1024xf32, #tpu.memory_space<hbm>>) target(%dma_start3A_18 : memref<56x1024xf32, #tpu.memory_space<vmem>>) offsets(%dma_start3A_20 : memref<56xi32, #tpu.memory_space<vmem>>) semaphore(%arg11 : memref<!tpu.dma_semaphore, #tpu.memory_space<semaphore_mem>>)
    %scan3A = arith.constant 0 : i32
    %scan3A_24 = arith.constant 0 : i32
    %scan3A_25 = arith.constant 21 : i32
    %scan3A_26 = arith.addi %scan3A_24, %scan3A_25 : i32
    %scan3A_27 = arith.constant 1 : i32
    %scan3A_28 = scf.for %scan3A_30 = %scan3A_24 to %scan3A_26 step %scan3A_27 iter_args(%scan3A_31 = %scan3A) -> (i32)  : i32 {
      %mul3A_32 = arith.constant 2 : i32
      %mul3A_33 = arith.muli %scan3A_30, %mul3A_32 : i32
      %add3A_34 = arith.constant 0 : i32
      %add3A_35 = arith.addi %mul3A_33, %add3A_34 : i32
      %mul3A_36 = arith.constant 56 : i32
      %mul3A_37 = arith.muli %add3A_35, %mul3A_36 : i32
      %dma_wait3A = arith.constant 0 : i32
      %dma_wait3A_38 = arith.constant 0 : i32
      %dma_wait3A_39 = arith.constant 0 : i32
      %dma_wait3A_40 = tpu.memref_slice %arg8[%dma_wait3A, %dma_wait3A_38, %dma_wait3A_39] : memref<2x56x1024xf32, #tpu.memory_space<vmem>> -> memref<1x56x1024xf32, #tpu.memory_space<vmem>>
      %dma_wait3A_41 = tpu.memref_squeeze %dma_wait3A_40 : memref<1x56x1024xf32, #tpu.memory_space<vmem>> -> memref<56x1024xf32, #tpu.memory_space<vmem>>
      %dma_wait3A_42 = tpu.memref_slice %arg6[%mul3A_37] : memref<2352xi32, #tpu.memory_space<vmem>> -> memref<56xi32, #tpu.memory_space<vmem>>
      %dma_wait3A_43 = arith.constant 0 : i32
      %dma_wait3A_44 = arith.constant 0 : i32
      %dma_wait3A_45 = tpu.memref_slice %arg2[%dma_wait3A_43, %dma_wait3A_44] : memref<40962x1024xf32, #tpu.memory_space<hbm>> -> memref<40962x1024xf32, #tpu.memory_space<hbm>>
      tpu.wait_indirect_dma semaphore(%arg10 : memref<!tpu.dma_semaphore, #tpu.memory_space<semaphore_mem>>) src(%dma_wait3A_45 : memref<40962x1024xf32, #tpu.memory_space<hbm>>) dst(%dma_wait3A_41 : memref<56x1024xf32, #tpu.memory_space<vmem>>)
      %scan3A_46 = arith.constant 0 : i32
      %scan3A_47 = arith.constant 0 : i32
      %scan3A_48 = arith.constant 0 : i32
      %scan3A_49 = arith.constant 8 : i32
      %scan3A_50 = arith.addi %scan3A_48, %scan3A_49 : i32
      %scan3A_51 = arith.constant 1 : i32
      %scan3A_52 = scf.for %scan3A_97 = %scan3A_48 to %scan3A_50 step %scan3A_51 iter_args(%scan3A_98 = %scan3A_47) -> (i32)  : i32 {
        %mul3A_99 = arith.constant 7 : i32
        %mul3A_100 = arith.muli %scan3A_97, %mul3A_99 : i32
        %mul3A_101 = arith.constant 56 : i32
        %mul3A_102 = arith.muli %add3A_35, %mul3A_101 : i32
        %add3A_103 = arith.addi %mul3A_102, %mul3A_100 : i32
        %get3A = arith.index_cast %add3A_103 : i32 to index
        %get3A_104 = tpu.vector_load %arg7[%get3A] {strides = array<i32>} : memref<2368xf32, #tpu.memory_space<vmem>>, vector<16xf32>,
        %get3A_105 = vector.shape_cast %get3A_104 : vector<16xf32> to vector<16xf32>
        %scan3A_106 = arith.constant 0 : i32
        %scan3A_107 = arith.constant 0 : i32
        %scan3A_108 = arith.constant 64 : i32
        %scan3A_109 = arith.addi %scan3A_107, %scan3A_108 : i32
        %scan3A_110 = arith.constant 2 : i32
        %scan3A_111 = scf.for %scan3A_114 = %scan3A_107 to %scan3A_109 step %scan3A_110 iter_args(%scan3A_115 = %scan3A_106) -> (i32)  : i32 {
          %mul3A_116 = arith.constant 16 : i32
          %mul3A_117 = arith.muli %scan3A_114, %mul3A_116 : i32
          %slice3A = vector.extract_strided_slice %get3A_105 {offsets = [0], sizes = [1], strides = [1]} : vector<16xf32> to vector<1xf32>
          %squeeze3A = vector.extract %slice3A[0] : f32 from vector<1xf32>
          %get3A_118 = arith.constant 0 : i32
          %get3A_119 = arith.constant 0 : i32
          %get3A_120 = tpu.memref_slice %arg8[%scan3A_46, %get3A_118, %get3A_119] : memref<2x56x1024xf32, #tpu.memory_space<vmem>> -> memref<1x56x1024xf32, #tpu.memory_space<vmem>>
          %get3A_121 = tpu.memref_squeeze %get3A_120 : memref<1x56x1024xf32, #tpu.memory_space<vmem>> -> memref<56x1024xf32, #tpu.memory_space<vmem>>
          %get3A_122 = arith.index_cast %mul3A_100 : i32 to index
          %get3A_123 = arith.index_cast %mul3A_117 : i32 to index
          %get3A_124 = tpu.vector_load %get3A_121[%get3A_122, %get3A_123] {strides = array<i32>} : memref<56x1024xf32, #tpu.memory_space<vmem>>, vector<1x16xf32>,
          %get3A_125 = vector.shape_cast %get3A_124 : vector<1x16xf32> to vector<16xf32>
          %mul3A_126 = vector.broadcast %squeeze3A : f32 to vector<16xf32>
          %mul3A_127 = arith.mulf %mul3A_126, %get3A_125 : vector<16xf32>
          %slice3A_128 = vector.extract_strided_slice %get3A_105 {offsets = [1], sizes = [1], strides = [1]} : vector<16xf32> to vector<1xf32>
          %squeeze3A_129 = vector.extract %slice3A_128[0] : f32 from vector<1xf32>
          %add3A_130 = arith.constant 1 : i32
          %add3A_131 = arith.addi %mul3A_100, %add3A_130 : i32
          %get3A_132 = arith.constant 0 : i32
          %get3A_133 = arith.constant 0 : i32
          %get3A_134 = tpu.memref_slice %arg8[%scan3A_46, %get3A_132, %get3A_133] : memref<2x56x1024xf32, #tpu.memory_space<vmem>> -> memref<1x56x1024xf32, #tpu.memory_space<vmem>>
          %get3A_135 = tpu.memref_squeeze %get3A_134 : memref<1x56x1024xf32, #tpu.memory_space<vmem>> -> memref<56x1024xf32, #tpu.memory_space<vmem>>
          %get3A_136 = arith.index_cast %add3A_131 : i32 to index
          %get3A_137 = arith.index_cast %mul3A_117 : i32 to index
          %get3A_138 = tpu.vector_load %get3A_135[%get3A_136, %get3A_137] {strides = array<i32>} : memref<56x1024xf32, #tpu.memory_space<vmem>>, vector<1x16xf32>,
          %get3A_139 = vector.shape_cast %get3A_138 : vector<1x16xf32> to vector<16xf32>
          %mul3A_140 = vector.broadcast %squeeze3A_129 : f32 to vector<16xf32>
          %mul3A_141 = arith.mulf %mul3A_140, %get3A_139 : vector<16xf32>
          %add3A_142 = arith.addf %mul3A_127, %mul3A_141 : vector<16xf32>
          %slice3A_143 = vector.extract_strided_slice %get3A_105 {offsets = [2], sizes = [1], strides = [1]} : vector<16xf32> to vector<1xf32>
          %squeeze3A_144 = vector.extract %slice3A_143[0] : f32 from vector<1xf32>
          %add3A_145 = arith.constant 2 : i32
          %add3A_146 = arith.addi %mul3A_100, %add3A_145 : i32
          %get3A_147 = arith.constant 0 : i32
          %get3A_148 = arith.constant 0 : i32
          %get3A_149 = tpu.memref_slice %arg8[%scan3A_46, %get3A_147, %get3A_148] : memref<2x56x1024xf32, #tpu.memory_space<vmem>> -> memref<1x56x1024xf32, #tpu.memory_space<vmem>>
          %get3A_150 = tpu.memref_squeeze %get3A_149 : memref<1x56x1024xf32, #tpu.memory_space<vmem>> -> memref<56x1024xf32, #tpu.memory_space<vmem>>
          %get3A_151 = arith.index_cast %add3A_146 : i32 to index
          %get3A_152 = arith.index_cast %mul3A_117 : i32 to index
          %get3A_153 = tpu.vector_load %get3A_150[%get3A_151, %get3A_152] {strides = array<i32>} : memref<56x1024xf32, #tpu.memory_space<vmem>>, vector<1x16xf32>,
          %get3A_154 = vector.shape_cast %get3A_153 : vector<1x16xf32> to vector<16xf32>
          %mul3A_155 = vector.broadcast %squeeze3A_144 : f32 to vector<16xf32>
          %mul3A_156 = arith.mulf %mul3A_155, %get3A_154 : vector<16xf32>
          %add3A_157 = arith.addf %add3A_142, %mul3A_156 : vector<16xf32>
          %slice3A_158 = vector.extract_strided_slice %get3A_105 {offsets = [3], sizes = [1], strides = [1]} : vector<16xf32> to vector<1xf32>
          %squeeze3A_159 = vector.extract %slice3A_158[0] : f32 from vector<1xf32>
          %add3A_160 = arith.constant 3 : i32
          %add3A_161 = arith.addi %mul3A_100, %add3A_160 : i32
          %get3A_162 = arith.constant 0 : i32
          %get3A_163 = arith.constant 0 : i32
          %get3A_164 = tpu.memref_slice %arg8[%scan3A_46, %get3A_162, %get3A_163] : memref<2x56x1024xf32, #tpu.memory_space<vmem>> -> memref<1x56x1024xf32, #tpu.memory_space<vmem>>
          %get3A_165 = tpu.memref_squeeze %get3A_164 : memref<1x56x1024xf32, #tpu.memory_space<vmem>> -> memref<56x1024xf32, #tpu.memory_space<vmem>>
          %get3A_166 = arith.index_cast %add3A_161 : i32 to index
          %get3A_167 = arith.index_cast %mul3A_117 : i32 to index
          %get3A_168 = tpu.vector_load %get3A_165[%get3A_166, %get3A_167] {strides = array<i32>} : memref<56x1024xf32, #tpu.memory_space<vmem>>, vector<1x16xf32>,
          %get3A_169 = vector.shape_cast %get3A_168 : vector<1x16xf32> to vector<16xf32>
          %mul3A_170 = vector.broadcast %squeeze3A_159 : f32 to vector<16xf32>
          %mul3A_171 = arith.mulf %mul3A_170, %get3A_169 : vector<16xf32>
          %add3A_172 = arith.addf %add3A_157, %mul3A_171 : vector<16xf32>
          %slice3A_173 = vector.extract_strided_slice %get3A_105 {offsets = [4], sizes = [1], strides = [1]} : vector<16xf32> to vector<1xf32>
          %squeeze3A_174 = vector.extract %slice3A_173[0] : f32 from vector<1xf32>
          %add3A_175 = arith.constant 4 : i32
          %add3A_176 = arith.addi %mul3A_100, %add3A_175 : i32
          %get3A_177 = arith.constant 0 : i32
          %get3A_178 = arith.constant 0 : i32
          %get3A_179 = tpu.memref_slice %arg8[%scan3A_46, %get3A_177, %get3A_178] : memref<2x56x1024xf32, #tpu.memory_space<vmem>> -> memref<1x56x1024xf32, #tpu.memory_space<vmem>>
          %get3A_180 = tpu.memref_squeeze %get3A_179 : memref<1x56x1024xf32, #tpu.memory_space<vmem>> -> memref<56x1024xf32, #tpu.memory_space<vmem>>
          %get3A_181 = arith.index_cast %add3A_176 : i32 to index
          %get3A_182 = arith.index_cast %mul3A_117 : i32 to index
          %get3A_183 = tpu.vector_load %get3A_180[%get3A_181, %get3A_182] {strides = array<i32>} : memref<56x1024xf32, #tpu.memory_space<vmem>>, vector<1x16xf32>,
          %get3A_184 = vector.shape_cast %get3A_183 : vector<1x16xf32> to vector<16xf32>
          %mul3A_185 = vector.broadcast %squeeze3A_174 : f32 to vector<16xf32>
          %mul3A_186 = arith.mulf %mul3A_185, %get3A_184 : vector<16xf32>
          %add3A_187 = arith.addf %add3A_172, %mul3A_186 : vector<16xf32>
          %slice3A_188 = vector.extract_strided_slice %get3A_105 {offsets = [5], sizes = [1], strides = [1]} : vector<16xf32> to vector<1xf32>
          %squeeze3A_189 = vector.extract %slice3A_188[0] : f32 from vector<1xf32>
          %add3A_190 = arith.constant 5 : i32
          %add3A_191 = arith.addi %mul3A_100, %add3A_190 : i32
          %get3A_192 = arith.constant 0 : i32
          %get3A_193 = arith.constant 0 : i32
          %get3A_194 = tpu.memref_slice %arg8[%scan3A_46, %get3A_192, %get3A_193] : memref<2x56x1024xf32, #tpu.memory_space<vmem>> -> memref<1x56x1024xf32, #tpu.memory_space<vmem>>
          %get3A_195 = tpu.memref_squeeze %get3A_194 : memref<1x56x1024xf32, #tpu.memory_space<vmem>> -> memref<56x1024xf32, #tpu.memory_space<vmem>>
          %get3A_196 = arith.index_cast %add3A_191 : i32 to index
          %get3A_197 = arith.index_cast %mul3A_117 : i32 to index
          %get3A_198 = tpu.vector_load %get3A_195[%get3A_196, %get3A_197] {strides = array<i32>} : memref<56x1024xf32, #tpu.memory_space<vmem>>, vector<1x16xf32>,
          %get3A_199 = vector.shape_cast %get3A_198 : vector<1x16xf32> to vector<16xf32>
          %mul3A_200 = vector.broadcast %squeeze3A_189 : f32 to vector<16xf32>
          %mul3A_201 = arith.mulf %mul3A_200, %get3A_199 : vector<16xf32>
          %add3A_202 = arith.addf %add3A_187, %mul3A_201 : vector<16xf32>
          %slice3A_203 = vector.extract_strided_slice %get3A_105 {offsets = [6], sizes = [1], strides = [1]} : vector<16xf32> to vector<1xf32>
          %squeeze3A_204 = vector.extract %slice3A_203[0] : f32 from vector<1xf32>
          %add3A_205 = arith.constant 6 : i32
          %add3A_206 = arith.addi %mul3A_100, %add3A_205 : i32
          %get3A_207 = arith.constant 0 : i32
          %get3A_208 = arith.constant 0 : i32
          %get3A_209 = tpu.memref_slice %arg8[%scan3A_46, %get3A_207, %get3A_208] : memref<2x56x1024xf32, #tpu.memory_space<vmem>> -> memref<1x56x1024xf32, #tpu.memory_space<vmem>>
          %get3A_210 = tpu.memref_squeeze %get3A_209 : memref<1x56x1024xf32, #tpu.memory_space<vmem>> -> memref<56x1024xf32, #tpu.memory_space<vmem>>
          %get3A_211 = arith.index_cast %add3A_206 : i32 to index
          %get3A_212 = arith.index_cast %mul3A_117 : i32 to index
          %get3A_213 = tpu.vector_load %get3A_210[%get3A_211, %get3A_212] {strides = array<i32>} : memref<56x1024xf32, #tpu.memory_space<vmem>>, vector<1x16xf32>,
          %get3A_214 = vector.shape_cast %get3A_213 : vector<1x16xf32> to vector<16xf32>
          %mul3A_215 = vector.broadcast %squeeze3A_204 : f32 to vector<16xf32>
          %mul3A_216 = arith.mulf %mul3A_215, %get3A_214 : vector<16xf32>
          %add3A_217 = arith.addf %add3A_202, %mul3A_216 : vector<16xf32>
          %swap3A = arith.index_cast %scan3A_97 : i32 to index
          %swap3A_218 = arith.index_cast %mul3A_117 : i32 to index
          %swap3A_219 = tpu.vector_load %arg9[%swap3A, %swap3A_218] {strides = array<i32>} : memref<8x1024xf32, #tpu.memory_space<vmem>>, vector<1x16xf32>,
          %swap3A_220 = vector.shape_cast %swap3A_219 : vector<1x16xf32> to vector<16xf32>
          %swap3A_221 = vector.shape_cast %add3A_217 : vector<16xf32> to vector<1x16xf32>
          tpu.vector_store %arg9[%swap3A, %swap3A_218], %swap3A_221 {strides = array<i32>} : memref<8x1024xf32, #tpu.memory_space<vmem>>, vector<1x16xf32>,
          %scan3A_222 = arith.constant 0 : i32
          %scan3A_223 = arith.constant 1 : i32
          %scan3A_224 = arith.addi %scan3A_114, %scan3A_223 : i32
          %mul3A_225 = arith.constant 16 : i32
          %mul3A_226 = arith.muli %scan3A_224, %mul3A_225 : i32
          %slice3A_227 = vector.extract_strided_slice %get3A_105 {offsets = [0], sizes = [1], strides = [1]} : vector<16xf32> to vector<1xf32>
          %squeeze3A_228 = vector.extract %slice3A_227[0] : f32 from vector<1xf32>
          %get3A_229 = arith.constant 0 : i32
          %get3A_230 = arith.constant 0 : i32
          %get3A_231 = tpu.memref_slice %arg8[%scan3A_46, %get3A_229, %get3A_230] : memref<2x56x1024xf32, #tpu.memory_space<vmem>> -> memref<1x56x1024xf32, #tpu.memory_space<vmem>>
          %get3A_232 = tpu.memref_squeeze %get3A_231 : memref<1x56x1024xf32, #tpu.memory_space<vmem>> -> memref<56x1024xf32, #tpu.memory_space<vmem>>
          %get3A_233 = arith.index_cast %mul3A_100 : i32 to index
          %get3A_234 = arith.index_cast %mul3A_226 : i32 to index
          %get3A_235 = tpu.vector_load %get3A_232[%get3A_233, %get3A_234] {strides = array<i32>} : memref<56x1024xf32, #tpu.memory_space<vmem>>, vector<1x16xf32>,
          %get3A_236 = vector.shape_cast %get3A_235 : vector<1x16xf32> to vector<16xf32>
          %mul3A_237 = vector.broadcast %squeeze3A_228 : f32 to vector<16xf32>
          %mul3A_238 = arith.mulf %mul3A_237, %get3A_236 : vector<16xf32>
          %slice3A_239 = vector.extract_strided_slice %get3A_105 {offsets = [1], sizes = [1], strides = [1]} : vector<16xf32> to vector<1xf32>
          %squeeze3A_240 = vector.extract %slice3A_239[0] : f32 from vector<1xf32>
          %add3A_241 = arith.constant 1 : i32
          %add3A_242 = arith.addi %mul3A_100, %add3A_241 : i32
          %get3A_243 = arith.constant 0 : i32
          %get3A_244 = arith.constant 0 : i32
          %get3A_245 = tpu.memref_slice %arg8[%scan3A_46, %get3A_243, %get3A_244] : memref<2x56x1024xf32, #tpu.memory_space<vmem>> -> memref<1x56x1024xf32, #tpu.memory_space<vmem>>
          %get3A_246 = tpu.memref_squeeze %get3A_245 : memref<1x56x1024xf32, #tpu.memory_space<vmem>> -> memref<56x1024xf32, #tpu.memory_space<vmem>>
          %get3A_247 = arith.index_cast %add3A_242 : i32 to index
          %get3A_248 = arith.index_cast %mul3A_226 : i32 to index
          %get3A_249 = tpu.vector_load %get3A_246[%get3A_247, %get3A_248] {strides = array<i32>} : memref<56x1024xf32, #tpu.memory_space<vmem>>, vector<1x16xf32>,
          %get3A_250 = vector.shape_cast %get3A_249 : vector<1x16xf32> to vector<16xf32>
          %mul3A_251 = vector.broadcast %squeeze3A_240 : f32 to vector<16xf32>
          %mul3A_252 = arith.mulf %mul3A_251, %get3A_250 : vector<16xf32>
          %add3A_253 = arith.addf %mul3A_238, %mul3A_252 : vector<16xf32>
          %slice3A_254 = vector.extract_strided_slice %get3A_105 {offsets = [2], sizes = [1], strides = [1]} : vector<16xf32> to vector<1xf32>
          %squeeze3A_255 = vector.extract %slice3A_254[0] : f32 from vector<1xf32>
          %add3A_256 = arith.constant 2 : i32
          %add3A_257 = arith.addi %mul3A_100, %add3A_256 : i32
          %get3A_258 = arith.constant 0 : i32
          %get3A_259 = arith.constant 0 : i32
          %get3A_260 = tpu.memref_slice %arg8[%scan3A_46, %get3A_258, %get3A_259] : memref<2x56x1024xf32, #tpu.memory_space<vmem>> -> memref<1x56x1024xf32, #tpu.memory_space<vmem>>
          %get3A_261 = tpu.memref_squeeze %get3A_260 : memref<1x56x1024xf32, #tpu.memory_space<vmem>> -> memref<56x1024xf32, #tpu.memory_space<vmem>>
          %get3A_262 = arith.index_cast %add3A_257 : i32 to index
          %get3A_263 = arith.index_cast %mul3A_226 : i32 to index
          %get3A_264 = tpu.vector_load %get3A_261[%get3A_262, %get3A_263] {strides = array<i32>} : memref<56x1024xf32, #tpu.memory_space<vmem>>, vector<1x16xf32>,
          %get3A_265 = vector.shape_cast %get3A_264 : vector<1x16xf32> to vector<16xf32>
          %mul3A_266 = vector.broadcast %squeeze3A_255 : f32 to vector<16xf32>
          %mul3A_267 = arith.mulf %mul3A_266, %get3A_265 : vector<16xf32>
          %add3A_268 = arith.addf %add3A_253, %mul3A_267 : vector<16xf32>
          %slice3A_269 = vector.extract_strided_slice %get3A_105 {offsets = [3], sizes = [1], strides = [1]} : vector<16xf32> to vector<1xf32>
          %squeeze3A_270 = vector.extract %slice3A_269[0] : f32 from vector<1xf32>
          %add3A_271 = arith.constant 3 : i32
          %add3A_272 = arith.addi %mul3A_100, %add3A_271 : i32
          %get3A_273 = arith.constant 0 : i32
          %get3A_274 = arith.constant 0 : i32
          %get3A_275 = tpu.memref_slice %arg8[%scan3A_46, %get3A_273, %get3A_274] : memref<2x56x1024xf32, #tpu.memory_space<vmem>> -> memref<1x56x1024xf32, #tpu.memory_space<vmem>>
          %get3A_276 = tpu.memref_squeeze %get3A_275 : memref<1x56x1024xf32, #tpu.memory_space<vmem>> -> memref<56x1024xf32, #tpu.memory_space<vmem>>
          %get3A_277 = arith.index_cast %add3A_272 : i32 to index
          %get3A_278 = arith.index_cast %mul3A_226 : i32 to index
          %get3A_279 = tpu.vector_load %get3A_276[%get3A_277, %get3A_278] {strides = array<i32>} : memref<56x1024xf32, #tpu.memory_space<vmem>>, vector<1x16xf32>,
          %get3A_280 = vector.shape_cast %get3A_279 : vector<1x16xf32> to vector<16xf32>
          %mul3A_281 = vector.broadcast %squeeze3A_270 : f32 to vector<16xf32>
          %mul3A_282 = arith.mulf %mul3A_281, %get3A_280 : vector<16xf32>
          %add3A_283 = arith.addf %add3A_268, %mul3A_282 : vector<16xf32>
          %slice3A_284 = vector.extract_strided_slice %get3A_105 {offsets = [4], sizes = [1], strides = [1]} : vector<16xf32> to vector<1xf32>
          %squeeze3A_285 = vector.extract %slice3A_284[0] : f32 from vector<1xf32>
          %add3A_286 = arith.constant 4 : i32
          %add3A_287 = arith.addi %mul3A_100, %add3A_286 : i32
          %get3A_288 = arith.constant 0 : i32
          %get3A_289 = arith.constant 0 : i32
          %get3A_290 = tpu.memref_slice %arg8[%scan3A_46, %get3A_288, %get3A_289] : memref<2x56x1024xf32, #tpu.memory_space<vmem>> -> memref<1x56x1024xf32, #tpu.memory_space<vmem>>
          %get3A_291 = tpu.memref_squeeze %get3A_290 : memref<1x56x1024xf32, #tpu.memory_space<vmem>> -> memref<56x1024xf32, #tpu.memory_space<vmem>>
          %get3A_292 = arith.index_cast %add3A_287 : i32 to index
          %get3A_293 = arith.index_cast %mul3A_226 : i32 to index
          %get3A_294 = tpu.vector_load %get3A_291[%get3A_292, %get3A_293] {strides = array<i32>} : memref<56x1024xf32, #tpu.memory_space<vmem>>, vector<1x16xf32>,
          %get3A_295 = vector.shape_cast %get3A_294 : vector<1x16xf32> to vector<16xf32>
          %mul3A_296 = vector.broadcast %squeeze3A_285 : f32 to vector<16xf32>
          %mul3A_297 = arith.mulf %mul3A_296, %get3A_295 : vector<16xf32>
          %add3A_298 = arith.addf %add3A_283, %mul3A_297 : vector<16xf32>
          %slice3A_299 = vector.extract_strided_slice %get3A_105 {offsets = [5], sizes = [1], strides = [1]} : vector<16xf32> to vector<1xf32>
          %squeeze3A_300 = vector.extract %slice3A_299[0] : f32 from vector<1xf32>
          %add3A_301 = arith.constant 5 : i32
          %add3A_302 = arith.addi %mul3A_100, %add3A_301 : i32
          %get3A_303 = arith.constant 0 : i32
          %get3A_304 = arith.constant 0 : i32
          %get3A_305 = tpu.memref_slice %arg8[%scan3A_46, %get3A_303, %get3A_304] : memref<2x56x1024xf32, #tpu.memory_space<vmem>> -> memref<1x56x1024xf32, #tpu.memory_space<vmem>>
          %get3A_306 = tpu.memref_squeeze %get3A_305 : memref<1x56x1024xf32, #tpu.memory_space<vmem>> -> memref<56x1024xf32, #tpu.memory_space<vmem>>
          %get3A_307 = arith.index_cast %add3A_302 : i32 to index
          %get3A_308 = arith.index_cast %mul3A_226 : i32 to index
          %get3A_309 = tpu.vector_load %get3A_306[%get3A_307, %get3A_308] {strides = array<i32>} : memref<56x1024xf32, #tpu.memory_space<vmem>>, vector<1x16xf32>,
          %get3A_310 = vector.shape_cast %get3A_309 : vector<1x16xf32> to vector<16xf32>
          %mul3A_311 = vector.broadcast %squeeze3A_300 : f32 to vector<16xf32>
          %mul3A_312 = arith.mulf %mul3A_311, %get3A_310 : vector<16xf32>
          %add3A_313 = arith.addf %add3A_298, %mul3A_312 : vector<16xf32>
          %slice3A_314 = vector.extract_strided_slice %get3A_105 {offsets = [6], sizes = [1], strides = [1]} : vector<16xf32> to vector<1xf32>
          %squeeze3A_315 = vector.extract %slice3A_314[0] : f32 from vector<1xf32>
          %add3A_316 = arith.constant 6 : i32
          %add3A_317 = arith.addi %mul3A_100, %add3A_316 : i32
          %get3A_318 = arith.constant 0 : i32
          %get3A_319 = arith.constant 0 : i32
          %get3A_320 = tpu.memref_slice %arg8[%scan3A_46, %get3A_318, %get3A_319] : memref<2x56x1024xf32, #tpu.memory_space<vmem>> -> memref<1x56x1024xf32, #tpu.memory_space<vmem>>
          %get3A_321 = tpu.memref_squeeze %get3A_320 : memref<1x56x1024xf32, #tpu.memory_space<vmem>> -> memref<56x1024xf32, #tpu.memory_space<vmem>>
          %get3A_322 = arith.index_cast %add3A_317 : i32 to index
          %get3A_323 = arith.index_cast %mul3A_226 : i32 to index
          %get3A_324 = tpu.vector_load %get3A_321[%get3A_322, %get3A_323] {strides = array<i32>} : memref<56x1024xf32, #tpu.memory_space<vmem>>, vector<1x16xf32>,
          %get3A_325 = vector.shape_cast %get3A_324 : vector<1x16xf32> to vector<16xf32>
          %mul3A_326 = vector.broadcast %squeeze3A_315 : f32 to vector<16xf32>
          %mul3A_327 = arith.mulf %mul3A_326, %get3A_325 : vector<16xf32>
          %add3A_328 = arith.addf %add3A_313, %mul3A_327 : vector<16xf32>
          %swap3A_329 = arith.index_cast %scan3A_97 : i32 to index
          %swap3A_330 = arith.index_cast %mul3A_226 : i32 to index
          %swap3A_331 = tpu.vector_load %arg9[%swap3A_329, %swap3A_330] {strides = array<i32>} : memref<8x1024xf32, #tpu.memory_space<vmem>>, vector<1x16xf32>,
          %swap3A_332 = vector.shape_cast %swap3A_331 : vector<1x16xf32> to vector<16xf32>
          %swap3A_333 = vector.shape_cast %add3A_328 : vector<16xf32> to vector<1x16xf32>
          tpu.vector_store %arg9[%swap3A_329, %swap3A_330], %swap3A_333 {strides = array<i32>} : memref<8x1024xf32, #tpu.memory_space<vmem>>, vector<1x16xf32>,
          %scan3A_334 = arith.constant 0 : i32
          scf.yield %scan3A_334 : i32
        }
        %scan3A_112 = arith.constant 64 : i32
        %scan3A_113 = arith.constant 0 : i32
        scf.yield %scan3A_113 : i32
      }
      %scan3A_53 = arith.constant 8 : i32
      %mul3A_54 = arith.constant 32 : i32
      %mul3A_55 = arith.muli %add3A_35, %mul3A_54 : i32
      %add3A_56 = arith.addi %mul3A_55, %add3A : i32
      %mul3A_57 = arith.constant 8 : i32
      %mul3A_58 = arith.muli %add3A_56, %mul3A_57 : i32
      "tpu.region"() ({
        %run_scoped3A = tpu.sem_alloc : memref<!tpu.dma_semaphore, #tpu.memory_space<semaphore_mem>>
        %dma_start3A_97 = arith.constant 0 : i32
        %dma_start3A_98 = tpu.memref_slice %arg5[%mul3A_58, %dma_start3A_97] : memref<10752x1024xf32, #tpu.memory_space<hbm>> -> memref<8x1024xf32, #tpu.memory_space<hbm>>
        %dma_start3A_99 = arith.constant 0 : i32
        %dma_start3A_100 = tpu.memref_slice %arg5[%mul3A_58, %dma_start3A_99] : memref<10752x1024xf32, #tpu.memory_space<hbm>> -> memref<8x1024xf32, #tpu.memory_space<hbm>>
        tpu.enqueue_dma source(%arg9 : memref<8x1024xf32, #tpu.memory_space<vmem>>) target(%dma_start3A_100 : memref<8x1024xf32, #tpu.memory_space<hbm>>) target_semaphore(%run_scoped3A : memref<!tpu.dma_semaphore, #tpu.memory_space<semaphore_mem>>)
        %dma_wait3A_101 = arith.constant 0 : i32
        %dma_wait3A_102 = tpu.memref_slice %arg5[%mul3A_58, %dma_wait3A_101] : memref<10752x1024xf32, #tpu.memory_space<hbm>> -> memref<8x1024xf32, #tpu.memory_space<hbm>>
        %dma_wait3A_103 = arith.constant 0 : i32
        %dma_wait3A_104 = tpu.memref_slice %arg5[%mul3A_58, %dma_wait3A_103] : memref<10752x1024xf32, #tpu.memory_space<hbm>> -> memref<8x1024xf32, #tpu.memory_space<hbm>>
        tpu.wait_dma2 semaphore(%run_scoped3A : memref<!tpu.dma_semaphore, #tpu.memory_space<semaphore_mem>>) src(%arg9 : memref<8x1024xf32, #tpu.memory_space<vmem>>) dst(%dma_wait3A_104 : memref<8x1024xf32, #tpu.memory_space<hbm>>)
        tpu.yield
      }) : () -> ()
      %add3A_59 = arith.constant 2 : i32
      %add3A_60 = arith.addi %add3A_35, %add3A_59 : i32
      %lt3A = arith.constant 42 : i32
      %lt3A_61 = arith.cmpi slt, %add3A_60, %lt3A : i32
      %convert_element_type3A = arith.extui %lt3A_61 : i1 to i32
      %cond3A = arith.constant 0 : i32
      %cond3A_62 = arith.cmpi ne, %convert_element_type3A, %cond3A : i32
      scf.if %cond3A_62 {
        %add3A_97 = arith.constant 2 : i32
        %add3A_98 = arith.addi %add3A_35, %add3A_97 : i32
        %mul3A_99 = arith.constant 56 : i32
        %mul3A_100 = arith.muli %add3A_98, %mul3A_99 : i32
        %dma_start3A_101 = arith.constant 0 : i32
        %dma_start3A_102 = arith.constant 0 : i32
        %dma_start3A_103 = arith.constant 0 : i32
        %dma_start3A_104 = tpu.memref_slice %arg8[%dma_start3A_101, %dma_start3A_102, %dma_start3A_103] : memref<2x56x1024xf32, #tpu.memory_space<vmem>> -> memref<1x56x1024xf32, #tpu.memory_space<vmem>>
        %dma_start3A_105 = tpu.memref_squeeze %dma_start3A_104 : memref<1x56x1024xf32, #tpu.memory_space<vmem>> -> memref<56x1024xf32, #tpu.memory_space<vmem>>
        %dma_start3A_106 = tpu.memref_slice %arg6[%mul3A_100] : memref<2352xi32, #tpu.memory_space<vmem>> -> memref<56xi32, #tpu.memory_space<vmem>>
        %dma_start3A_107 = arith.constant 0 : i32
        %dma_start3A_108 = arith.constant 0 : i32
        %dma_start3A_109 = tpu.memref_slice %arg2[%dma_start3A_107, %dma_start3A_108] : memref<40962x1024xf32, #tpu.memory_space<hbm>> -> memref<40962x1024xf32, #tpu.memory_space<hbm>>
        tpu.enqueue_indirect_dma source(%dma_start3A_109 : memref<40962x1024xf32, #tpu.memory_space<hbm>>) target(%dma_start3A_105 : memref<56x1024xf32, #tpu.memory_space<vmem>>) offsets(%dma_start3A_106 : memref<56xi32, #tpu.memory_space<vmem>>) semaphore(%arg10 : memref<!tpu.dma_semaphore, #tpu.memory_space<semaphore_mem>>)
      } else {
      }
      %add3A_63 = arith.constant 1 : i32
      %add3A_64 = arith.addi %mul3A_33, %add3A_63 : i32
      %mul3A_65 = arith.constant 56 : i32
      %mul3A_66 = arith.muli %add3A_64, %mul3A_65 : i32
      %dma_wait3A_67 = arith.constant 1 : i32
      %dma_wait3A_68 = arith.constant 0 : i32
      %dma_wait3A_69 = arith.constant 0 : i32
      %dma_wait3A_70 = tpu.memref_slice %arg8[%dma_wait3A_67, %dma_wait3A_68, %dma_wait3A_69] : memref<2x56x1024xf32, #tpu.memory_space<vmem>> -> memref<1x56x1024xf32, #tpu.memory_space<vmem>>
      %dma_wait3A_71 = tpu.memref_squeeze %dma_wait3A_70 : memref<1x56x1024xf32, #tpu.memory_space<vmem>> -> memref<56x1024xf32, #tpu.memory_space<vmem>>
      %dma_wait3A_72 = tpu.memref_slice %arg6[%mul3A_66] : memref<2352xi32, #tpu.memory_space<vmem>> -> memref<56xi32, #tpu.memory_space<vmem>>
      %dma_wait3A_73 = arith.constant 0 : i32
      %dma_wait3A_74 = arith.constant 0 : i32
      %dma_wait3A_75 = tpu.memref_slice %arg2[%dma_wait3A_73, %dma_wait3A_74] : memref<40962x1024xf32, #tpu.memory_space<hbm>> -> memref<40962x1024xf32, #tpu.memory_space<hbm>>
      tpu.wait_indirect_dma semaphore(%arg11 : memref<!tpu.dma_semaphore, #tpu.memory_space<semaphore_mem>>) src(%dma_wait3A_75 : memref<40962x1024xf32, #tpu.memory_space<hbm>>) dst(%dma_wait3A_71 : memref<56x1024xf32, #tpu.memory_space<vmem>>)
      %scan3A_76 = arith.constant 1 : i32
      %scan3A_77 = arith.constant 0 : i32
      %scan3A_78 = arith.constant 0 : i32
      %scan3A_79 = arith.constant 8 : i32
      %scan3A_80 = arith.addi %scan3A_78, %scan3A_79 : i32
      %scan3A_81 = arith.constant 1 : i32
      %scan3A_82 = scf.for %scan3A_97 = %scan3A_78 to %scan3A_80 step %scan3A_81 iter_args(%scan3A_98 = %scan3A_77) -> (i32)  : i32 {
        %mul3A_99 = arith.constant 7 : i32
        %mul3A_100 = arith.muli %scan3A_97, %mul3A_99 : i32
        %mul3A_101 = arith.constant 56 : i32
        %mul3A_102 = arith.muli %add3A_64, %mul3A_101 : i32
        %add3A_103 = arith.addi %mul3A_102, %mul3A_100 : i32
        %get3A = arith.index_cast %add3A_103 : i32 to index
        %get3A_104 = tpu.vector_load %arg7[%get3A] {strides = array<i32>} : memref<2368xf32, #tpu.memory_space<vmem>>, vector<16xf32>,
        %get3A_105 = vector.shape_cast %get3A_104 : vector<16xf32> to vector<16xf32>
        %scan3A_106 = arith.constant 0 : i32
        %scan3A_107 = arith.constant 0 : i32
        %scan3A_108 = arith.constant 64 : i32
        %scan3A_109 = arith.addi %scan3A_107, %scan3A_108 : i32
        %scan3A_110 = arith.constant 2 : i32
        %scan3A_111 = scf.for %scan3A_114 = %scan3A_107 to %scan3A_109 step %scan3A_110 iter_args(%scan3A_115 = %scan3A_106) -> (i32)  : i32 {
          %mul3A_116 = arith.constant 16 : i32
          %mul3A_117 = arith.muli %scan3A_114, %mul3A_116 : i32
          %slice3A = vector.extract_strided_slice %get3A_105 {offsets = [0], sizes = [1], strides = [1]} : vector<16xf32> to vector<1xf32>
          %squeeze3A = vector.extract %slice3A[0] : f32 from vector<1xf32>
          %get3A_118 = arith.constant 0 : i32
          %get3A_119 = arith.constant 0 : i32
          %get3A_120 = tpu.memref_slice %arg8[%scan3A_76, %get3A_118, %get3A_119] : memref<2x56x1024xf32, #tpu.memory_space<vmem>> -> memref<1x56x1024xf32, #tpu.memory_space<vmem>>
          %get3A_121 = tpu.memref_squeeze %get3A_120 : memref<1x56x1024xf32, #tpu.memory_space<vmem>> -> memref<56x1024xf32, #tpu.memory_space<vmem>>
          %get3A_122 = arith.index_cast %mul3A_100 : i32 to index
          %get3A_123 = arith.index_cast %mul3A_117 : i32 to index
          %get3A_124 = tpu.vector_load %get3A_121[%get3A_122, %get3A_123] {strides = array<i32>} : memref<56x1024xf32, #tpu.memory_space<vmem>>, vector<1x16xf32>,
          %get3A_125 = vector.shape_cast %get3A_124 : vector<1x16xf32> to vector<16xf32>
          %mul3A_126 = vector.broadcast %squeeze3A : f32 to vector<16xf32>
          %mul3A_127 = arith.mulf %mul3A_126, %get3A_125 : vector<16xf32>
          %slice3A_128 = vector.extract_strided_slice %get3A_105 {offsets = [1], sizes = [1], strides = [1]} : vector<16xf32> to vector<1xf32>
          %squeeze3A_129 = vector.extract %slice3A_128[0] : f32 from vector<1xf32>
          %add3A_130 = arith.constant 1 : i32
          %add3A_131 = arith.addi %mul3A_100, %add3A_130 : i32
          %get3A_132 = arith.constant 0 : i32
          %get3A_133 = arith.constant 0 : i32
          %get3A_134 = tpu.memref_slice %arg8[%scan3A_76, %get3A_132, %get3A_133] : memref<2x56x1024xf32, #tpu.memory_space<vmem>> -> memref<1x56x1024xf32, #tpu.memory_space<vmem>>
          %get3A_135 = tpu.memref_squeeze %get3A_134 : memref<1x56x1024xf32, #tpu.memory_space<vmem>> -> memref<56x1024xf32, #tpu.memory_space<vmem>>
          %get3A_136 = arith.index_cast %add3A_131 : i32 to index
          %get3A_137 = arith.index_cast %mul3A_117 : i32 to index
          %get3A_138 = tpu.vector_load %get3A_135[%get3A_136, %get3A_137] {strides = array<i32>} : memref<56x1024xf32, #tpu.memory_space<vmem>>, vector<1x16xf32>,
          %get3A_139 = vector.shape_cast %get3A_138 : vector<1x16xf32> to vector<16xf32>
          %mul3A_140 = vector.broadcast %squeeze3A_129 : f32 to vector<16xf32>
          %mul3A_141 = arith.mulf %mul3A_140, %get3A_139 : vector<16xf32>
          %add3A_142 = arith.addf %mul3A_127, %mul3A_141 : vector<16xf32>
          %slice3A_143 = vector.extract_strided_slice %get3A_105 {offsets = [2], sizes = [1], strides = [1]} : vector<16xf32> to vector<1xf32>
          %squeeze3A_144 = vector.extract %slice3A_143[0] : f32 from vector<1xf32>
          %add3A_145 = arith.constant 2 : i32
          %add3A_146 = arith.addi %mul3A_100, %add3A_145 : i32
          %get3A_147 = arith.constant 0 : i32
          %get3A_148 = arith.constant 0 : i32
          %get3A_149 = tpu.memref_slice %arg8[%scan3A_76, %get3A_147, %get3A_148] : memref<2x56x1024xf32, #tpu.memory_space<vmem>> -> memref<1x56x1024xf32, #tpu.memory_space<vmem>>
          %get3A_150 = tpu.memref_squeeze %get3A_149 : memref<1x56x1024xf32, #tpu.memory_space<vmem>> -> memref<56x1024xf32, #tpu.memory_space<vmem>>
          %get3A_151 = arith.index_cast %add3A_146 : i32 to index
          %get3A_152 = arith.index_cast %mul3A_117 : i32 to index
          %get3A_153 = tpu.vector_load %get3A_150[%get3A_151, %get3A_152] {strides = array<i32>} : memref<56x1024xf32, #tpu.memory_space<vmem>>, vector<1x16xf32>,
          %get3A_154 = vector.shape_cast %get3A_153 : vector<1x16xf32> to vector<16xf32>
          %mul3A_155 = vector.broadcast %squeeze3A_144 : f32 to vector<16xf32>
          %mul3A_156 = arith.mulf %mul3A_155, %get3A_154 : vector<16xf32>
          %add3A_157 = arith.addf %add3A_142, %mul3A_156 : vector<16xf32>
          %slice3A_158 = vector.extract_strided_slice %get3A_105 {offsets = [3], sizes = [1], strides = [1]} : vector<16xf32> to vector<1xf32>
          %squeeze3A_159 = vector.extract %slice3A_158[0] : f32 from vector<1xf32>
          %add3A_160 = arith.constant 3 : i32
          %add3A_161 = arith.addi %mul3A_100, %add3A_160 : i32
          %get3A_162 = arith.constant 0 : i32
          %get3A_163 = arith.constant 0 : i32
          %get3A_164 = tpu.memref_slice %arg8[%scan3A_76, %get3A_162, %get3A_163] : memref<2x56x1024xf32, #tpu.memory_space<vmem>> -> memref<1x56x1024xf32, #tpu.memory_space<vmem>>
          %get3A_165 = tpu.memref_squeeze %get3A_164 : memref<1x56x1024xf32, #tpu.memory_space<vmem>> -> memref<56x1024xf32, #tpu.memory_space<vmem>>
          %get3A_166 = arith.index_cast %add3A_161 : i32 to index
          %get3A_167 = arith.index_cast %mul3A_117 : i32 to index
          %get3A_168 = tpu.vector_load %get3A_165[%get3A_166, %get3A_167] {strides = array<i32>} : memref<56x1024xf32, #tpu.memory_space<vmem>>, vector<1x16xf32>,
          %get3A_169 = vector.shape_cast %get3A_168 : vector<1x16xf32> to vector<16xf32>
          %mul3A_170 = vector.broadcast %squeeze3A_159 : f32 to vector<16xf32>
          %mul3A_171 = arith.mulf %mul3A_170, %get3A_169 : vector<16xf32>
          %add3A_172 = arith.addf %add3A_157, %mul3A_171 : vector<16xf32>
          %slice3A_173 = vector.extract_strided_slice %get3A_105 {offsets = [4], sizes = [1], strides = [1]} : vector<16xf32> to vector<1xf32>
          %squeeze3A_174 = vector.extract %slice3A_173[0] : f32 from vector<1xf32>
          %add3A_175 = arith.constant 4 : i32
          %add3A_176 = arith.addi %mul3A_100, %add3A_175 : i32
          %get3A_177 = arith.constant 0 : i32
          %get3A_178 = arith.constant 0 : i32
          %get3A_179 = tpu.memref_slice %arg8[%scan3A_76, %get3A_177, %get3A_178] : memref<2x56x1024xf32, #tpu.memory_space<vmem>> -> memref<1x56x1024xf32, #tpu.memory_space<vmem>>
          %get3A_180 = tpu.memref_squeeze %get3A_179 : memref<1x56x1024xf32, #tpu.memory_space<vmem>> -> memref<56x1024xf32, #tpu.memory_space<vmem>>
          %get3A_181 = arith.index_cast %add3A_176 : i32 to index
          %get3A_182 = arith.index_cast %mul3A_117 : i32 to index
          %get3A_183 = tpu.vector_load %get3A_180[%get3A_181, %get3A_182] {strides = array<i32>} : memref<56x1024xf32, #tpu.memory_space<vmem>>, vector<1x16xf32>,
          %get3A_184 = vector.shape_cast %get3A_183 : vector<1x16xf32> to vector<16xf32>
          %mul3A_185 = vector.broadcast %squeeze3A_174 : f32 to vector<16xf32>
          %mul3A_186 = arith.mulf %mul3A_185, %get3A_184 : vector<16xf32>
          %add3A_187 = arith.addf %add3A_172, %mul3A_186 : vector<16xf32>
          %slice3A_188 = vector.extract_strided_slice %get3A_105 {offsets = [5], sizes = [1], strides = [1]} : vector<16xf32> to vector<1xf32>
          %squeeze3A_189 = vector.extract %slice3A_188[0] : f32 from vector<1xf32>
          %add3A_190 = arith.constant 5 : i32
          %add3A_191 = arith.addi %mul3A_100, %add3A_190 : i32
          %get3A_192 = arith.constant 0 : i32
          %get3A_193 = arith.constant 0 : i32
          %get3A_194 = tpu.memref_slice %arg8[%scan3A_76, %get3A_192, %get3A_193] : memref<2x56x1024xf32, #tpu.memory_space<vmem>> -> memref<1x56x1024xf32, #tpu.memory_space<vmem>>
          %get3A_195 = tpu.memref_squeeze %get3A_194 : memref<1x56x1024xf32, #tpu.memory_space<vmem>> -> memref<56x1024xf32, #tpu.memory_space<vmem>>
          %get3A_196 = arith.index_cast %add3A_191 : i32 to index
          %get3A_197 = arith.index_cast %mul3A_117 : i32 to index
          %get3A_198 = tpu.vector_load %get3A_195[%get3A_196, %get3A_197] {strides = array<i32>} : memref<56x1024xf32, #tpu.memory_space<vmem>>, vector<1x16xf32>,
          %get3A_199 = vector.shape_cast %get3A_198 : vector<1x16xf32> to vector<16xf32>
          %mul3A_200 = vector.broadcast %squeeze3A_189 : f32 to vector<16xf32>
          %mul3A_201 = arith.mulf %mul3A_200, %get3A_199 : vector<16xf32>
          %add3A_202 = arith.addf %add3A_187, %mul3A_201 : vector<16xf32>
          %slice3A_203 = vector.extract_strided_slice %get3A_105 {offsets = [6], sizes = [1], strides = [1]} : vector<16xf32> to vector<1xf32>
          %squeeze3A_204 = vector.extract %slice3A_203[0] : f32 from vector<1xf32>
          %add3A_205 = arith.constant 6 : i32
          %add3A_206 = arith.addi %mul3A_100, %add3A_205 : i32
          %get3A_207 = arith.constant 0 : i32
          %get3A_208 = arith.constant 0 : i32
          %get3A_209 = tpu.memref_slice %arg8[%scan3A_76, %get3A_207, %get3A_208] : memref<2x56x1024xf32, #tpu.memory_space<vmem>> -> memref<1x56x1024xf32, #tpu.memory_space<vmem>>
          %get3A_210 = tpu.memref_squeeze %get3A_209 : memref<1x56x1024xf32, #tpu.memory_space<vmem>> -> memref<56x1024xf32, #tpu.memory_space<vmem>>
          %get3A_211 = arith.index_cast %add3A_206 : i32 to index
          %get3A_212 = arith.index_cast %mul3A_117 : i32 to index
          %get3A_213 = tpu.vector_load %get3A_210[%get3A_211, %get3A_212] {strides = array<i32>} : memref<56x1024xf32, #tpu.memory_space<vmem>>, vector<1x16xf32>,
          %get3A_214 = vector.shape_cast %get3A_213 : vector<1x16xf32> to vector<16xf32>
          %mul3A_215 = vector.broadcast %squeeze3A_204 : f32 to vector<16xf32>
          %mul3A_216 = arith.mulf %mul3A_215, %get3A_214 : vector<16xf32>
          %add3A_217 = arith.addf %add3A_202, %mul3A_216 : vector<16xf32>
          %swap3A = arith.index_cast %scan3A_97 : i32 to index
          %swap3A_218 = arith.index_cast %mul3A_117 : i32 to index
          %swap3A_219 = tpu.vector_load %arg9[%swap3A, %swap3A_218] {strides = array<i32>} : memref<8x1024xf32, #tpu.memory_space<vmem>>, vector<1x16xf32>,
          %swap3A_220 = vector.shape_cast %swap3A_219 : vector<1x16xf32> to vector<16xf32>
          %swap3A_221 = vector.shape_cast %add3A_217 : vector<16xf32> to vector<1x16xf32>
          tpu.vector_store %arg9[%swap3A, %swap3A_218], %swap3A_221 {strides = array<i32>} : memref<8x1024xf32, #tpu.memory_space<vmem>>, vector<1x16xf32>,
          %scan3A_222 = arith.constant 0 : i32
          %scan3A_223 = arith.constant 1 : i32
          %scan3A_224 = arith.addi %scan3A_114, %scan3A_223 : i32
          %mul3A_225 = arith.constant 16 : i32
          %mul3A_226 = arith.muli %scan3A_224, %mul3A_225 : i32
          %slice3A_227 = vector.extract_strided_slice %get3A_105 {offsets = [0], sizes = [1], strides = [1]} : vector<16xf32> to vector<1xf32>
          %squeeze3A_228 = vector.extract %slice3A_227[0] : f32 from vector<1xf32>
          %get3A_229 = arith.constant 0 : i32
          %get3A_230 = arith.constant 0 : i32
          %get3A_231 = tpu.memref_slice %arg8[%scan3A_76, %get3A_229, %get3A_230] : memref<2x56x1024xf32, #tpu.memory_space<vmem>> -> memref<1x56x1024xf32, #tpu.memory_space<vmem>>
          %get3A_232 = tpu.memref_squeeze %get3A_231 : memref<1x56x1024xf32, #tpu.memory_space<vmem>> -> memref<56x1024xf32, #tpu.memory_space<vmem>>
          %get3A_233 = arith.index_cast %mul3A_100 : i32 to index
          %get3A_234 = arith.index_cast %mul3A_226 : i32 to index
          %get3A_235 = tpu.vector_load %get3A_232[%get3A_233, %get3A_234] {strides = array<i32>} : memref<56x1024xf32, #tpu.memory_space<vmem>>, vector<1x16xf32>,
          %get3A_236 = vector.shape_cast %get3A_235 : vector<1x16xf32> to vector<16xf32>
          %mul3A_237 = vector.broadcast %squeeze3A_228 : f32 to vector<16xf32>
          %mul3A_238 = arith.mulf %mul3A_237, %get3A_236 : vector<16xf32>
          %slice3A_239 = vector.extract_strided_slice %get3A_105 {offsets = [1], sizes = [1], strides = [1]} : vector<16xf32> to vector<1xf32>
          %squeeze3A_240 = vector.extract %slice3A_239[0] : f32 from vector<1xf32>
          %add3A_241 = arith.constant 1 : i32
          %add3A_242 = arith.addi %mul3A_100, %add3A_241 : i32
          %get3A_243 = arith.constant 0 : i32
          %get3A_244 = arith.constant 0 : i32
          %get3A_245 = tpu.memref_slice %arg8[%scan3A_76, %get3A_243, %get3A_244] : memref<2x56x1024xf32, #tpu.memory_space<vmem>> -> memref<1x56x1024xf32, #tpu.memory_space<vmem>>
          %get3A_246 = tpu.memref_squeeze %get3A_245 : memref<1x56x1024xf32, #tpu.memory_space<vmem>> -> memref<56x1024xf32, #tpu.memory_space<vmem>>
          %get3A_247 = arith.index_cast %add3A_242 : i32 to index
          %get3A_248 = arith.index_cast %mul3A_226 : i32 to index
          %get3A_249 = tpu.vector_load %get3A_246[%get3A_247, %get3A_248] {strides = array<i32>} : memref<56x1024xf32, #tpu.memory_space<vmem>>, vector<1x16xf32>,
          %get3A_250 = vector.shape_cast %get3A_249 : vector<1x16xf32> to vector<16xf32>
          %mul3A_251 = vector.broadcast %squeeze3A_240 : f32 to vector<16xf32>
          %mul3A_252 = arith.mulf %mul3A_251, %get3A_250 : vector<16xf32>
          %add3A_253 = arith.addf %mul3A_238, %mul3A_252 : vector<16xf32>
          %slice3A_254 = vector.extract_strided_slice %get3A_105 {offsets = [2], sizes = [1], strides = [1]} : vector<16xf32> to vector<1xf32>
          %squeeze3A_255 = vector.extract %slice3A_254[0] : f32 from vector<1xf32>
          %add3A_256 = arith.constant 2 : i32
          %add3A_257 = arith.addi %mul3A_100, %add3A_256 : i32
          %get3A_258 = arith.constant 0 : i32
          %get3A_259 = arith.constant 0 : i32
          %get3A_260 = tpu.memref_slice %arg8[%scan3A_76, %get3A_258, %get3A_259] : memref<2x56x1024xf32, #tpu.memory_space<vmem>> -> memref<1x56x1024xf32, #tpu.memory_space<vmem>>
          %get3A_261 = tpu.memref_squeeze %get3A_260 : memref<1x56x1024xf32, #tpu.memory_space<vmem>> -> memref<56x1024xf32, #tpu.memory_space<vmem>>
          %get3A_262 = arith.index_cast %add3A_257 : i32 to index
          %get3A_263 = arith.index_cast %mul3A_226 : i32 to index
          %get3A_264 = tpu.vector_load %get3A_261[%get3A_262, %get3A_263] {strides = array<i32>} : memref<56x1024xf32, #tpu.memory_space<vmem>>, vector<1x16xf32>,
          %get3A_265 = vector.shape_cast %get3A_264 : vector<1x16xf32> to vector<16xf32>
          %mul3A_266 = vector.broadcast %squeeze3A_255 : f32 to vector<16xf32>
          %mul3A_267 = arith.mulf %mul3A_266, %get3A_265 : vector<16xf32>
          %add3A_268 = arith.addf %add3A_253, %mul3A_267 : vector<16xf32>
          %slice3A_269 = vector.extract_strided_slice %get3A_105 {offsets = [3], sizes = [1], strides = [1]} : vector<16xf32> to vector<1xf32>
          %squeeze3A_270 = vector.extract %slice3A_269[0] : f32 from vector<1xf32>
          %add3A_271 = arith.constant 3 : i32
          %add3A_272 = arith.addi %mul3A_100, %add3A_271 : i32
          %get3A_273 = arith.constant 0 : i32
          %get3A_274 = arith.constant 0 : i32
          %get3A_275 = tpu.memref_slice %arg8[%scan3A_76, %get3A_273, %get3A_274] : memref<2x56x1024xf32, #tpu.memory_space<vmem>> -> memref<1x56x1024xf32, #tpu.memory_space<vmem>>
          %get3A_276 = tpu.memref_squeeze %get3A_275 : memref<1x56x1024xf32, #tpu.memory_space<vmem>> -> memref<56x1024xf32, #tpu.memory_space<vmem>>
          %get3A_277 = arith.index_cast %add3A_272 : i32 to index
          %get3A_278 = arith.index_cast %mul3A_226 : i32 to index
          %get3A_279 = tpu.vector_load %get3A_276[%get3A_277, %get3A_278] {strides = array<i32>} : memref<56x1024xf32, #tpu.memory_space<vmem>>, vector<1x16xf32>,
          %get3A_280 = vector.shape_cast %get3A_279 : vector<1x16xf32> to vector<16xf32>
          %mul3A_281 = vector.broadcast %squeeze3A_270 : f32 to vector<16xf32>
          %mul3A_282 = arith.mulf %mul3A_281, %get3A_280 : vector<16xf32>
          %add3A_283 = arith.addf %add3A_268, %mul3A_282 : vector<16xf32>
          %slice3A_284 = vector.extract_strided_slice %get3A_105 {offsets = [4], sizes = [1], strides = [1]} : vector<16xf32> to vector<1xf32>
          %squeeze3A_285 = vector.extract %slice3A_284[0] : f32 from vector<1xf32>
          %add3A_286 = arith.constant 4 : i32
          %add3A_287 = arith.addi %mul3A_100, %add3A_286 : i32
          %get3A_288 = arith.constant 0 : i32
          %get3A_289 = arith.constant 0 : i32
          %get3A_290 = tpu.memref_slice %arg8[%scan3A_76, %get3A_288, %get3A_289] : memref<2x56x1024xf32, #tpu.memory_space<vmem>> -> memref<1x56x1024xf32, #tpu.memory_space<vmem>>
          %get3A_291 = tpu.memref_squeeze %get3A_290 : memref<1x56x1024xf32, #tpu.memory_space<vmem>> -> memref<56x1024xf32, #tpu.memory_space<vmem>>
          %get3A_292 = arith.index_cast %add3A_287 : i32 to index
          %get3A_293 = arith.index_cast %mul3A_226 : i32 to index
          %get3A_294 = tpu.vector_load %get3A_291[%get3A_292, %get3A_293] {strides = array<i32>} : memref<56x1024xf32, #tpu.memory_space<vmem>>, vector<1x16xf32>,
          %get3A_295 = vector.shape_cast %get3A_294 : vector<1x16xf32> to vector<16xf32>
          %mul3A_296 = vector.broadcast %squeeze3A_285 : f32 to vector<16xf32>
          %mul3A_297 = arith.mulf %mul3A_296, %get3A_295 : vector<16xf32>
          %add3A_298 = arith.addf %add3A_283, %mul3A_297 : vector<16xf32>
          %slice3A_299 = vector.extract_strided_slice %get3A_105 {offsets = [5], sizes = [1], strides = [1]} : vector<16xf32> to vector<1xf32>
          %squeeze3A_300 = vector.extract %slice3A_299[0] : f32 from vector<1xf32>
          %add3A_301 = arith.constant 5 : i32
          %add3A_302 = arith.addi %mul3A_100, %add3A_301 : i32
          %get3A_303 = arith.constant 0 : i32
          %get3A_304 = arith.constant 0 : i32
          %get3A_305 = tpu.memref_slice %arg8[%scan3A_76, %get3A_303, %get3A_304] : memref<2x56x1024xf32, #tpu.memory_space<vmem>> -> memref<1x56x1024xf32, #tpu.memory_space<vmem>>
          %get3A_306 = tpu.memref_squeeze %get3A_305 : memref<1x56x1024xf32, #tpu.memory_space<vmem>> -> memref<56x1024xf32, #tpu.memory_space<vmem>>
          %get3A_307 = arith.index_cast %add3A_302 : i32 to index
          %get3A_308 = arith.index_cast %mul3A_226 : i32 to index
          %get3A_309 = tpu.vector_load %get3A_306[%get3A_307, %get3A_308] {strides = array<i32>} : memref<56x1024xf32, #tpu.memory_space<vmem>>, vector<1x16xf32>,
          %get3A_310 = vector.shape_cast %get3A_309 : vector<1x16xf32> to vector<16xf32>
          %mul3A_311 = vector.broadcast %squeeze3A_300 : f32 to vector<16xf32>
          %mul3A_312 = arith.mulf %mul3A_311, %get3A_310 : vector<16xf32>
          %add3A_313 = arith.addf %add3A_298, %mul3A_312 : vector<16xf32>
          %slice3A_314 = vector.extract_strided_slice %get3A_105 {offsets = [6], sizes = [1], strides = [1]} : vector<16xf32> to vector<1xf32>
          %squeeze3A_315 = vector.extract %slice3A_314[0] : f32 from vector<1xf32>
          %add3A_316 = arith.constant 6 : i32
          %add3A_317 = arith.addi %mul3A_100, %add3A_316 : i32
          %get3A_318 = arith.constant 0 : i32
          %get3A_319 = arith.constant 0 : i32
          %get3A_320 = tpu.memref_slice %arg8[%scan3A_76, %get3A_318, %get3A_319] : memref<2x56x1024xf32, #tpu.memory_space<vmem>> -> memref<1x56x1024xf32, #tpu.memory_space<vmem>>
          %get3A_321 = tpu.memref_squeeze %get3A_320 : memref<1x56x1024xf32, #tpu.memory_space<vmem>> -> memref<56x1024xf32, #tpu.memory_space<vmem>>
          %get3A_322 = arith.index_cast %add3A_317 : i32 to index
          %get3A_323 = arith.index_cast %mul3A_226 : i32 to index
          %get3A_324 = tpu.vector_load %get3A_321[%get3A_322, %get3A_323] {strides = array<i32>} : memref<56x1024xf32, #tpu.memory_space<vmem>>, vector<1x16xf32>,
          %get3A_325 = vector.shape_cast %get3A_324 : vector<1x16xf32> to vector<16xf32>
          %mul3A_326 = vector.broadcast %squeeze3A_315 : f32 to vector<16xf32>
          %mul3A_327 = arith.mulf %mul3A_326, %get3A_325 : vector<16xf32>
          %add3A_328 = arith.addf %add3A_313, %mul3A_327 : vector<16xf32>
          %swap3A_329 = arith.index_cast %scan3A_97 : i32 to index
          %swap3A_330 = arith.index_cast %mul3A_226 : i32 to index
          %swap3A_331 = tpu.vector_load %arg9[%swap3A_329, %swap3A_330] {strides = array<i32>} : memref<8x1024xf32, #tpu.memory_space<vmem>>, vector<1x16xf32>,
          %swap3A_332 = vector.shape_cast %swap3A_331 : vector<1x16xf32> to vector<16xf32>
          %swap3A_333 = vector.shape_cast %add3A_328 : vector<16xf32> to vector<1x16xf32>
          tpu.vector_store %arg9[%swap3A_329, %swap3A_330], %swap3A_333 {strides = array<i32>} : memref<8x1024xf32, #tpu.memory_space<vmem>>, vector<1x16xf32>,
          %scan3A_334 = arith.constant 0 : i32
          scf.yield %scan3A_334 : i32
        }
        %scan3A_112 = arith.constant 64 : i32
        %scan3A_113 = arith.constant 0 : i32
        scf.yield %scan3A_113 : i32
      }
      %scan3A_83 = arith.constant 8 : i32
      %mul3A_84 = arith.constant 32 : i32
      %mul3A_85 = arith.muli %add3A_64, %mul3A_84 : i32
      %add3A_86 = arith.addi %mul3A_85, %add3A : i32
      %mul3A_87 = arith.constant 8 : i32
      %mul3A_88 = arith.muli %add3A_86, %mul3A_87 : i32
      "tpu.region"() ({
        %run_scoped3A = tpu.sem_alloc : memref<!tpu.dma_semaphore, #tpu.memory_space<semaphore_mem>>
        %dma_start3A_97 = arith.constant 0 : i32
        %dma_start3A_98 = tpu.memref_slice %arg5[%mul3A_88, %dma_start3A_97] : memref<10752x1024xf32, #tpu.memory_space<hbm>> -> memref<8x1024xf32, #tpu.memory_space<hbm>>
        %dma_start3A_99 = arith.constant 0 : i32
        %dma_start3A_100 = tpu.memref_slice %arg5[%mul3A_88, %dma_start3A_99] : memref<10752x1024xf32, #tpu.memory_space<hbm>> -> memref<8x1024xf32, #tpu.memory_space<hbm>>
        tpu.enqueue_dma source(%arg9 : memref<8x1024xf32, #tpu.memory_space<vmem>>) target(%dma_start3A_100 : memref<8x1024xf32, #tpu.memory_space<hbm>>) target_semaphore(%run_scoped3A : memref<!tpu.dma_semaphore, #tpu.memory_space<semaphore_mem>>)
        %dma_wait3A_101 = arith.constant 0 : i32
        %dma_wait3A_102 = tpu.memref_slice %arg5[%mul3A_88, %dma_wait3A_101] : memref<10752x1024xf32, #tpu.memory_space<hbm>> -> memref<8x1024xf32, #tpu.memory_space<hbm>>
        %dma_wait3A_103 = arith.constant 0 : i32
        %dma_wait3A_104 = tpu.memref_slice %arg5[%mul3A_88, %dma_wait3A_103] : memref<10752x1024xf32, #tpu.memory_space<hbm>> -> memref<8x1024xf32, #tpu.memory_space<hbm>>
        tpu.wait_dma2 semaphore(%run_scoped3A : memref<!tpu.dma_semaphore, #tpu.memory_space<semaphore_mem>>) src(%arg9 : memref<8x1024xf32, #tpu.memory_space<vmem>>) dst(%dma_wait3A_104 : memref<8x1024xf32, #tpu.memory_space<hbm>>)
        tpu.yield
      }) : () -> ()
      %add3A_89 = arith.constant 2 : i32
      %add3A_90 = arith.addi %add3A_64, %add3A_89 : i32
      %lt3A_91 = arith.constant 42 : i32
      %lt3A_92 = arith.cmpi slt, %add3A_90, %lt3A_91 : i32
      %convert_element_type3A_93 = arith.extui %lt3A_92 : i1 to i32
      %cond3A_94 = arith.constant 0 : i32
      %cond3A_95 = arith.cmpi ne, %convert_element_type3A_93, %cond3A_94 : i32
      scf.if %cond3A_95 {
        %add3A_97 = arith.constant 2 : i32
        %add3A_98 = arith.addi %add3A_64, %add3A_97 : i32
        %mul3A_99 = arith.constant 56 : i32
        %mul3A_100 = arith.muli %add3A_98, %mul3A_99 : i32
        %dma_start3A_101 = arith.constant 1 : i32
        %dma_start3A_102 = arith.constant 0 : i32
        %dma_start3A_103 = arith.constant 0 : i32
        %dma_start3A_104 = tpu.memref_slice %arg8[%dma_start3A_101, %dma_start3A_102, %dma_start3A_103] : memref<2x56x1024xf32, #tpu.memory_space<vmem>> -> memref<1x56x1024xf32, #tpu.memory_space<vmem>>
        %dma_start3A_105 = tpu.memref_squeeze %dma_start3A_104 : memref<1x56x1024xf32, #tpu.memory_space<vmem>> -> memref<56x1024xf32, #tpu.memory_space<vmem>>
        %dma_start3A_106 = tpu.memref_slice %arg6[%mul3A_100] : memref<2352xi32, #tpu.memory_space<vmem>> -> memref<56xi32, #tpu.memory_space<vmem>>
        %dma_start3A_107 = arith.constant 0 : i32
        %dma_start3A_108 = arith.constant 0 : i32
        %dma_start3A_109 = tpu.memref_slice %arg2[%dma_start3A_107, %dma_start3A_108] : memref<40962x1024xf32, #tpu.memory_space<hbm>> -> memref<40962x1024xf32, #tpu.memory_space<hbm>>
        tpu.enqueue_indirect_dma source(%dma_start3A_109 : memref<40962x1024xf32, #tpu.memory_space<hbm>>) target(%dma_start3A_105 : memref<56x1024xf32, #tpu.memory_space<vmem>>) offsets(%dma_start3A_106 : memref<56xi32, #tpu.memory_space<vmem>>) semaphore(%arg11 : memref<!tpu.dma_semaphore, #tpu.memory_space<semaphore_mem>>)
      } else {
      }
      %scan3A_96 = arith.constant 0 : i32
      scf.yield %scan3A_96 : i32
    }
    %scan3A_29 = arith.constant 21 : i32
    return
  }
}

</mosaic_0001>

<sc_bundles>
// kernel: kernel.3.cloned.1.call-start
scs
__scs_entry_jumppad:
0x0: {  	(pc) =	sbr.rel $0x88, $3  }
0x1: {  	(tag) =	ssettag $0x0;
	lr =	simm.s32 $0x1  }
0x2: {  	[smem:$0x3F9E] =	sst lr;
	_ =	strace $0xD0000000  }
0x3: {  	_ = 	snop  }
0x4: {  	_ = 	snop  }
0x5: {  	_ = 	snop  }
0x6: {  	_ = 	snop  }
0x7: {  	_ = 	snop  }
__scs_overlays_trampoline_lowered:
0x8: {  	[smem:$0x3FAD] =	sst s0  }
0x9: {  	[smem:$0x3FAE] =	sst s1  }
0xa: {  	[smem:$0x3FAF] =	sst s2  }
0xb: {  	[smem:$0x3FB0] =	sst s3  }
0xc: {  	[smem:$0x3FB1] =	sst s4  }
0xd: {  	[smem:$0x3FB2] =	sst s5  }
0xe: {  	[smem:$0x3FB3] =	sst s6  }
0xf: {  	[smem:$0x3FB4] =	sst s7  }
0x10: {  	[smem:$0x3FB5] =	sst s8  }
0x11: {  	[smem:$0x3FB6] =	sst s9;
	s0 =	simm.s32 @!p0 $0x0  }
0x12: {  	s1 =	sld [smem:$0x3F9C];
	s0 =	simm.s32 @p0 $0x1  }
0x13: {  	[smem:$0x3FB7] =	sst s0;
	s0 =	simm.s32 @!p1 $0x0  }
0x14: {  	s2 =	sld [smem:$0x3F9B];
	s0 =	simm.s32 @p1 $0x1  }
0x15: {  	[smem:$0x3FB8] =	sst s0;
	s0 =	simm.s32 @!p2 $0x0  }
0x16: {  	s3 =	sld [smem:$0x3FDB];
	s0 =	simm.s32 @p2 $0x1  }
0x17: {  	s4 =	simm.s32 $0x1BF5;
	[smem:$0x3FBA] =	sst s0  }
0x18: {  	s0 =	sld [smem:$0x3F9D];
	_ =	swait.ge [sflag:s4], $0x0  }
0x19: {  	s7 =	sld [smem:$0x3F9E]  }
0x1a: {  	s8 =	sadd.s32 $0xFFFFE003, lr  }
0x1b: {  	s9 =	sadd.s32 $0xFFFFFEF7, lr;
	s5 =	simm.s32 $0xFFFFFFFF;
	p2 =	slt.u32 s8, $0xFFFFF086  }
0x1c: {  	p1 =	slt.u32 s9, $0xF7A;
	s5 =	simm.s32 @!p2 $0x0  }
0x1d: {  	s5 =	simm.s32 @p1 $0x1;
	p0 =	seq.s32 s7, s2  }
0x1e: {  	s7 =	smul.u32 @!p0 $0xF7A, s2;
	p2 =	seq.s32 @!p0 s5, $0x0  }
0x1f: {  	s9 =	smul.u32 $0xF7A, s1;
	s8 =	simm.s32 @!p0 $0x1BF5;
	p2 =	por !p2, p0  }
0x20: {  	[sflag:s8] =	ssyncset.s32 @!p0 $0xFFFFF086;
	s6 =	sadd.s32 @!p0 s3, s7;
	s7 =	simm.s32 @!p0 $0x108  }
0x21: {  	s3 =	sadd.s32 s3, s9;
	s6 =	sadd.s32 @!p0 $0x88, s6;
	s7 =	simm.s32 @p2 $0x1082  }
0x22: {  	[simem:s7], [sflag:s8] =	dma.local @!p0 [hbm:s6], $0xF7A  }
0x23: {  	s9 =	sor.u32 $0xD0000000, s2;
	s6 =	simm.s32 $0x108;
	_ =	swait.ge @!p0 [sflag:s8], $0x0  }
0x24: {  	s3 =	sadd.s32 $0x88, s3;
	s6 =	simm.s32 @!p1 $0x1082;
	[sflag:s4] =	ssyncset.s32 $0xFFFFF086  }
0x25: {  	[simem:s6], [sflag:s4] =	dma.local [hbm:s3], $0xF7A  }
0x26: {  	[smem:$0x3F9E] =	sst s1;
	(tag) =	ssettag s2;
	_ =	strace s9  }
0x27: {  	s1 =	sld [smem:$0x3FAE]  }
0x28: {  	s2 =	sld [smem:$0x3FAF]  }
0x29: {  	s4 =	sld [smem:$0x3FB1]  }
0x2a: {  	p0 =	seq.s32 s5, $0x0;
	s5 =	sld [smem:$0x3FB2]  }
0x2b: {  	s6 =	sld [smem:$0x3FB3]  }
0x2c: {  	s7 =	sld [smem:$0x3FB4]  }
0x2d: {  	s3 =	simm.s32 $0x108;
	s8 =	sld [smem:$0x3FB5]  }
0x2e: {  	s3 =	simm.s32 @!p0 $0x1082;
	s9 =	sld [smem:$0x3FB6]  }
0x2f: {  	lr =	sadd.s32 s0, s3;
	s0 =	sld [smem:$0x3FAD]  }
0x30: {  	s3 =	sld [smem:$0x3FB0]  }
0x31: {  	[smem:$0x3FB9] =	sst s10  }
0x32: {  	s10 =	sld [smem:$0x3FB7];
	_ =	sdelay $0x3  }
0x33: {  	p0 =	seq.s32 s10, $0x1;
	s10 =	sld [smem:$0x3FB9];
	_ =	sdelay $0x3  }
0x34: {  	[smem:$0x3FB9] =	sst s10  }
0x35: {  	s10 =	sld [smem:$0x3FB8];
	_ =	sdelay $0x3  }
0x36: {  	p1 =	seq.s32 s10, $0x1;
	s10 =	sld [smem:$0x3FB9];
	_ =	sdelay $0x3  }
0x37: {  	[smem:$0x3FB9] =	sst s10  }
0x38: {  	s10 =	sld [smem:$0x3FBA]  }
0x39: {  	_ = 	snop;
	(pc) =	sbr.ind lr, $3  }
0x3a: {  	_ = 	snop  }
0x3b: {  	_ = 	snop  }
0x3c: {  	p2 =	seq.s32 s10, $0x1;
	s10 =	sld [smem:$0x3FB9]  }
0x3d: {  	_ =	shalt  }
0x3e: {  	_ =	shalt  }
0x3f: {  	_ =	shalt  }
0x40: {  	_ =	shalt  }
0x41: {  	_ =	shalt  }
0x42: {  	_ =	shalt  }
0x43: {  	_ =	shalt  }
0x44: {  	_ =	shalt  }
0x45: {  	_ =	shalt  }
0x46: {  	_ =	shalt  }
0x47: {  	_ =	shalt  }
0x48: {  	_ =	shalt  }
0x49: {  	_ =	shalt  }
0x4a: {  	_ =	shalt  }
0x4b: {  	_ =	shalt  }
0x4c: {  	_ =	shalt  }
0x4d: {  	_ =	shalt  }
0x4e: {  	_ =	shalt  }
0x4f: {  	_ =	shalt  }
0x50: {  	_ =	shalt  }
0x51: {  	_ =	shalt  }
0x52: {  	_ =	shalt  }
0x53: {  	_ =	shalt  }
0x54: {  	_ =	shalt  }
0x55: {  	_ =	shalt  }
0x56: {  	_ =	shalt  }
0x57: {  	_ =	shalt  }
0x58: {  	_ =	shalt  }
0x59: {  	_ =	shalt  }
0x5a: {  	_ =	shalt  }
0x5b: {  	_ =	shalt  }
0x5c: {  	_ =	shalt  }
0x5d: {  	_ =	shalt  }
0x5e: {  	_ =	shalt  }
0x5f: {  	_ =	shalt  }
0x60: {  	_ =	shalt  }
0x61: {  	_ =	shalt  }
0x62: {  	_ =	shalt  }
0x63: {  	_ =	shalt  }
0x64: {  	_ =	shalt  }
0x65: {  	_ =	shalt  }
0x66: {  	_ =	shalt  }
0x67: {  	_ =	shalt  }
0x68: {  	_ =	shalt  }
0x69: {  	_ =	shalt  }
0x6a: {  	_ =	shalt  }
0x6b: {  	_ =	shalt  }
0x6c: {  	_ =	shalt  }
0x6d: {  	_ =	shalt  }
0x6e: {  	_ =	shalt  }
0x6f: {  	_ =	shalt  }
0x70: {  	_ =	shalt  }
0x71: {  	_ =	shalt  }
0x72: {  	_ =	shalt  }
0x73: {  	_ =	shalt  }
0x74: {  	_ =	shalt  }
0x75: {  	_ =	shalt  }
0x76: {  	_ =	shalt  }
0x77: {  	_ =	shalt  }
0x78: {  	_ =	shalt  }
0x79: {  	_ =	shalt  }
0x7a: {  	_ =	shalt  }
0x7b: {  	_ =	shalt  }
0x7c: {  	_ =	shalt  }
0x7d: {  	_ =	shalt  }
0x7e: {  	_ =	shalt  }
0x7f: {  	_ =	shalt  }
0x80: {  	_ =	shalt  }
0x81: {  	_ =	shalt  }
0x82: {  	_ =	shalt  }
0x83: {  	_ =	shalt  }
0x84: {  	_ =	shalt  }
0x85: {  	_ =	shalt  }
0x86: {  	_ =	shalt  }
0x87: {  	_ =	shalt  }
.Lfunc_end0:
.L_simem_size_0:
called_computation.1_lowered:
.L_overlay_start_0:
0x88: {  	s2 =	sld [smem:$0x3FD9]  }
0x89: {  	s3 =	sld [smem:$0x3FFE];
	_ =	sdelay $0x1  }
0x8a: {  	s1 =	srdreg.scid  }
0x8b: {  	s0 =	sand.u32 $0x1, s1  }
0x8c: {  	s17 =	sshll.u32 s0, $0xA;
	s2 =	sadd.s32 s3, s2  }
0x8d: {  	s2 =	sadd.s32 s2, s17  }
0x8e: {  	[smem:$0x3FC5] =	sst s2  }
0x8f: {  	_ = 	snop  }
0x90: {  	s2 =	sld [smem:$0x3FD0];
	(tm) =	ssettm $0x1  }
0x91: {  	s18 =	sld [smem:$0x3FFB];
	_ =	sdelay $0x3  }
0x92: {  	_ =	strace s18  }
0x93: {  	s3 =	sld [smem:$0x3FFC];
	_ =	sdelay $0x3  }
0x94: {  	_ =	strace s3  }
0x95: {  	s3 =	sld [smem:$0x3FFD];
	_ =	sdelay $0x3  }
0x96: {  	_ =	strace s3  }
0x97: {  	_ =	strace $0x8FFFFFFF  }
0x98: {  	s19 =	sld [smem:$0x3FDB];
	_ =	sdelay $0x1  }
0x99: {  	s4 =	simm.s32 $_scs_section_size  }
0x9a: {  	s5 =	simm.s32 $_size__tile_overlayer_lowered;
	s6 =	simm.s32 $_tile_overlayer_lowered  }
0x9b: {  	s22 =	simm.s32 $0x1BFF;
	s21 =	sshll.u32 s6, $0x1;
	s3 =	sadd.s32 s4, s19  }
0x9c: {  	s7 =	simm.s32 $0x0;
	s20 =	sshll.u32 s5, $0x1;
	s5 =	sadd.s32 s21, s3  }
0x9d: {  	[timem:s7], [sflag:s22] =	dma.local [hbm:s5], s20  }
0x9e: {  	_ =	swait.ge [sflag:s22], s20  }
0x9f: {  	s4 =	ssub.s32 $0x0, s20;
	[sflag:s22] =	ssyncset.done $0x0  }
0xa0: {  	[sflag:s22] =	ssyncadd.s32 s4;
	_ =	sdelay $0x1  }
0xa1: {  	s23 =	simm.s32 $0x1B8B  }
0xa2: {  	_ =	swait.ge [sflag:s23], $0x1  }
0xa3: {  	[sflag:s23] =	ssyncset.done $0x0  }
0xa4: {  	s25 =	simm.s32 $0x1B8E;
	s24 =	sld [smem:$0x3FFE];
	[sflag:s23] =	ssyncadd.s32 $0xFFFFFFFF  }
0xa5: {  	s26 =	simm.s32 $execute0_lowered;
	[smem:$0x3FD2] =	sst s25  }
0xa6: {  	s5 =	sshll.u32 s26, $0x1;
	_ =	strace $0x80000049;
	[dreg:$0x1] =	wrdreg $0xFFFFFFFF  }
0xa7: {  	s28 =	simm.s32 $_size_execute0_lowered;
	s3 =	sadd.s32 s3, s5;
	[dreg:$0x0] =	wrdreg $0x0  }
0xa8: {  	s5 =	sshll.u32 s28, $0x1;
	[dreg:$0x2] =	wrdreg s3  }
0xa9: {  	[dreg:$0x3] =	wrdreg s5  }
0xaa: {  	[dreg:$0x4] =	wrdreg $0xC0  }
0xab: {  	_ =	task [dreg:s7], $0x5FFFF  }
0xac: {  	[dreg:$0x1] =	wrdreg $0xFFFFFFFF  }
0xad: {  	[dreg:$0x0] =	wrdreg $0x60  }
0xae: {  	[dreg:$0x2] =	wrdreg s24  }
0xaf: {  	[dreg:$0x3] =	wrdreg s2  }
0xb0: {  	[dreg:$0x4] =	wrdreg $0x9  }
0xb1: {  	_ =	task.clear_ibuf [dreg:s7], $0x5FFFF;
	_ =	strace $0x90000049  }
0xb2: {  	s29 =	simm.s32 $0x9;
	_ =	strace $0x8000004B  }
0xb3: {  	_ =	swait.ge [sflag:s29], $0x1  }
0xb4: {  	[sflag:s29] =	ssyncadd.s32 $0xFFFFFFFF  }
0xb5: {  	_ =	strace $0x9000004B  }
0xb6: {  	_ =	sfence  }
0xb7: {  	s30 =	sld [smem:$0x0];
	_ =	sdelay $0x2  }
0xb8: {  	s31 =	sshll.u32 s1, $0xD;
	s1 =	sshrl.u32 s1, $0x2  }
0xb9: {  	s3 =	sand.u32 $0x4000, s31;
	s1 =	sadd.s32 s1, s30  }
0xba: {  	s0 =	sor.u32 s3, s0;
	s1 =	sshll.u32 s1, $0x11  }
0xbb: {  	s0 =	sor.u32 s1, s0  }
0xbc: {  	s0 =	sadd.s32 $0x8F2B, s0  }
0xbd: {  	[sflag:s0] =	ssyncadd.remote.s32 $0x1  }
0xbe: {  	_ =	sfence.sel $0xFFFF  }
0xbf: {  	[dreg:$0x0] =	wrdreg $0xFFFFFFFF;
	(pc) =	sbr.abs _section_cstart, $3  }
0xc0: {  	[dreg:$0x1] =	wrdreg $0xFFFFFFFF  }
0xc1: {  	_ =	task.clear_ibuf [dreg:s7], $0x2FFFF;
	_ =	strace $0x9FFFFFFF  }
0xc2: {  	(tm) =	ssettm $0x7FFFFFFF  }
0xc3: {  	_ =	shalt  }
tec
execute0_lowered:
.L_overlay_start_1:
0x0: {  	(tag) =	ssettag $0x1  }
0x1: {  	s0 =	rddreg [dreg:$0x0];
	s1 =	srdreg.scid  }
0x2: {  	s2 =	stileid.u32;
	s4 =	rddreg [dreg:$0x1];
	s11 =	simm.s32 $0x3  }
0x3: {  	s21 =	simm.s32 $0x1;
	s22 =	simm.s32 $0x1D300;
	s23 =	simm.s32 $0x2  }
0x4: {  	s1 =	sand.u32 $0x1, s1;
	s3 =	sshll.u32 s2, $0x1;
	s2 =	simm.s32 $0x0  }
0x5: {  	s5 =	sor.u32 s1, s3;
	[smem:$0x7FF] =	sst s2;
	s3 =	sadd.s32 $0x501000, s0  }
0x6: {  	s1 =	ssub.s32 $0x2, s1;
	s6 =	smul.u32 $0x128, s5;
	_ =	strace $0x8000004A  }
0x7: {  	s7 =	sshll.u32 s5, $0xA;
	s8 =	sshrl.u32 s1, $0x1;
	s9 =	smul.u32 $0x126, s5  }
.Ltmp0:
0x8: {  	s5 =	sadd.s32 $0x501100, s0;
	s7 =	sadd.s32 s7, s0;
	(pc) =	sbr.rel .LBB2_1-.Ltmp0, $4  }
0x9: {  	s1 =	ssub.s32 s1, s8;
	s8 =	sadd.s32 $0x501300, s0;
	s4 =	sadd.s32 s4, s9  }
0xa: {  	v2 =	vlaneseq.u32;
	s6 =	sadd.s32 s6, s0;
	s31 =	smax.u32 s1, $0x1;
	[dreg:$0xe] =	wrdreg s4  }
0xb: {  	vm0 =	vmmov $0xffff;
	v1 =	vshrl.u32 v2, $0x3;
	s9 =	sadd.s32 $0xC00, s7;
	s30 =	sadd.s32 $0xA01400, s6;
	[dreg:$0xf] =	wrdreg s31  }
0xc: {  	v0 =	vand.u32 $0x7, v2;
	v2 =	vor.u32 $0x8, v2;
	v1 =	vmul.u32 $0x8, v1;
	s1 =	simm.s32 $0x0;
	s6 =	sadd.s32 $0x501200, s0;
	[dreg:$0xd] =	wrdreg s30  }
.LBB2_14:
0xd: {  	s1 =	rddreg [dreg:$0x10]  }
0xe: {  	s0 =	rddreg [dreg:$0xf];
	s1 =	sadd.s32 $0x1, s1  }
0xf: {  	p0 =	sne.s32 s1, s0  }
.Ltmp1:
0x10: {  	_ = 	snop;
	(pc) =	sbr.rel @!p0 .LBB2_15-.Ltmp1, $1  }
0x11: {  	_ =	sdelay $0x3  }
.LBB2_1:
0x12: {  	[dreg:$0x10] =	wrdreg s1  }
0x13: {  	s0 =	rddreg [dreg:$0xe]  }
0x14: {  	[tilespmem:s2], [sflag:$0x3] =	stream.linear.gather [hbm4b:s0+s2], $0x930, $0x38;
	[tilespmem:$0x1F300] =	vst v63  }
0x15: {  	_ =	swait.ge [sflag:s11], $0x930  }
0x16: {  	[sflag:s11] =	ssyncset.done $0x0  }
0x17: {  	s10 =	simm.s32 $0x980;
	s7 =	rddreg [dreg:$0xd];
	[sflag:s11] =	ssyncadd.s32 $0xFFFFF6D0  }
0x18: {  	[tilespmem:s10], [sflag:$0x3] =	stream.linear.gather [hbm4b:s7+s2], $0x940, $0x38;
	[tilespmem:$0x1F300] =	vst v63  }
0x19: {  	_ =	swait.ge [sflag:s11], $0x940  }
0x1a: {  	[sflag:s11] =	ssyncset.done $0x0  }
0x1b: {  	[sflag:s11] =	ssyncadd.s32 $0xFFFFF6C0  }
0x1c: {  	v3 =	vld [tilespmem:$0x0];
	_ =	sdelay $0x4  }
0x1d: {  	v4 =	vshll.u32 v3, $0x3  }
0x1e: {  	v3 =	vand.u32 $0x7, v3;
	v4 =	vand.u32 $0xFFFFFFC0, v4  }
0x1f: {  	v3 =	vor.u32 v3, v4  }
0x20: {  	v4 =	vperm.xlane v3, v0;
	_ =	sdelay $0x1  }
0x21: {  	v4 =	vadd.s32 v1, v4;
	_ =	sdelay $0x3  }
0x22: {  	s12 =	simm.s32 $0x1300  }
0x23: {  	[tilespmem:s12], [sflag:$0x1] =	stream.indirect_vreg.gather [hbm4b:s3+s2], $0x80, v4, vm0, $0xb8;
	[tilespmem:$0x1F300] =	vst v63  }
0x24: {  	s13 =	simm.s32 $0x1B00;
	v3 =	vperm.xlane v3, v2  }
0x25: {  	[tilespmem:s13], [sflag:$0x1] =	stream.indirect_vreg.gather [hbm4b:s5+s2], $0x80, v4, vm0, $0xb8;
	[tilespmem:$0x1F300] =	vst v63  }
0x26: {  	s14 =	simm.s32 $0x2300;
	v3 =	vadd.s32 v1, v3  }
0x27: {  	[tilespmem:s14], [sflag:$0x1] =	stream.indirect_vreg.gather [hbm4b:s6+s2], $0x80, v4, vm0, $0xb8;
	[tilespmem:$0x1F300] =	vst v63  }
0x28: {  	s15 =	simm.s32 $0x2B00  }
0x29: {  	[tilespmem:s15], [sflag:$0x1] =	stream.indirect_vreg.gather [hbm4b:s8+s2], $0x80, v4, vm0, $0xb8;
	[tilespmem:$0x1F300] =	vst v63  }
0x2a: {  	s16 =	simm.s32 $0x3300  }
0x2b: {  	[tilespmem:s16], [sflag:$0x1] =	stream.indirect_vreg.gather [hbm4b:s3+s2], $0x80, v3, vm0, $0xb8;
	[tilespmem:$0x1F300] =	vst v63  }
0x2c: {  	s17 =	simm.s32 $0x3B00  }
0x2d: {  	[tilespmem:s17], [sflag:$0x1] =	stream.indirect_vreg.gather [hbm4b:s5+s2], $0x80, v3, vm0, $0xb8;
	[tilespmem:$0x1F300] =	vst v63  }
0x2e: {  	s18 =	simm.s32 $0x4300  }
0x2f: {  	[tilespmem:s18], [sflag:$0x1] =	stream.indirect_vreg.gather [hbm4b:s6+s2], $0x80, v3, vm0, $0xb8;
	[tilespmem:$0x1F300] =	vst v63  }
0x30: {  	s19 =	simm.s32 $0x4B00  }
0x31: {  	[tilespmem:s19], [sflag:$0x1] =	stream.indirect_vreg.gather [hbm4b:s8+s2], $0x80, v3, vm0, $0xb8;
	[tilespmem:$0x1F300] =	vst v63  }
0x32: {  	v3 =	vld [tilespmem:$0x10];
	_ =	sdelay $0x4  }
0x33: {  	v57 =	vshll.u32 v3, $0x3  }
0x34: {  	v3 =	vand.u32 $0x7, v3;
	v4 =	vand.u32 $0xFFFFFFC0, v57  }
0x35: {  	v3 =	vor.u32 v3, v4  }
0x36: {  	v4 =	vperm.xlane v3, v0;
	_ =	sdelay $0x1  }
0x37: {  	v4 =	vadd.s32 v1, v4;
	_ =	sdelay $0x3  }
0x38: {  	s20 =	simm.s32 $0x5300  }
0x39: {  	[tilespmem:s20], [sflag:$0x1] =	stream.indirect_vreg.gather [hbm4b:s3+s2], $0x80, v4, vm0, $0xb8;
	[tilespmem:$0x1F300] =	vst v63  }
0x3a: {  	s24 =	simm.s32 $0x5B00;
	v3 =	vperm.xlane v3, v2  }
0x3b: {  	[tilespmem:s24], [sflag:$0x1] =	stream.indirect_vreg.gather [hbm4b:s5+s2], $0x80, v4, vm0, $0xb8;
	[tilespmem:$0x1F300] =	vst v63  }
0x3c: {  	s25 =	simm.s32 $0x6300;
	v3 =	vadd.s32 v1, v3  }
0x3d: {  	[tilespmem:s25], [sflag:$0x1] =	stream.indirect_vreg.gather [hbm4b:s6+s2], $0x80, v4, vm0, $0xb8;
	[tilespmem:$0x1F300] =	vst v63  }
0x3e: {  	s26 =	simm.s32 $0x6B00  }
0x3f: {  	[tilespmem:s26], [sflag:$0x1] =	stream.indirect_vreg.gather [hbm4b:s8+s2], $0x80, v4, vm0, $0xb8;
	[tilespmem:$0x1F300] =	vst v63  }
0x40: {  	s28 =	simm.s32 $0x7300  }
0x41: {  	[tilespmem:s28], [sflag:$0x1] =	stream.indirect_vreg.gather [hbm4b:s3+s2], $0x80, v3, vm0, $0xb8;
	[tilespmem:$0x1F300] =	vst v63  }
0x42: {  	s29 =	simm.s32 $0x7B00  }
0x43: {  	[tilespmem:s29], [sflag:$0x1] =	stream.indirect_vreg.gather [hbm4b:s5+s2], $0x80, v3, vm0, $0xb8;
	[tilespmem:$0x1F300] =	vst v63  }
0x44: {  	s30 =	simm.s32 $0x8300  }
0x45: {  	[tilespmem:s30], [sflag:$0x1] =	stream.indirect_vreg.gather [hbm4b:s6+s2], $0x80, v3, vm0, $0xb8;
	[tilespmem:$0x1F300] =	vst v63  }
0x46: {  	s31 =	simm.s32 $0x8B00  }
0x47: {  	[tilespmem:s31], [sflag:$0x1] =	stream.indirect_vreg.gather [hbm4b:s8+s2], $0x80, v3, vm0, $0xb8;
	[tilespmem:$0x1F300] =	vst v63  }
0x48: {  	v3 =	vld [tilespmem:$0x20];
	_ =	sdelay $0x4  }
0x49: {  	v58 =	vshll.u32 v3, $0x3  }
0x4a: {  	v3 =	vand.u32 $0x7, v3;
	v4 =	vand.u32 $0xFFFFFFC0, v58  }
0x4b: {  	v3 =	vor.u32 v3, v4  }
0x4c: {  	v4 =	vperm.xlane v3, v0;
	_ =	sdelay $0x1  }
0x4d: {  	v4 =	vadd.s32 v1, v4;
	_ =	sdelay $0x3  }
0x4e: {  	s1 =	simm.s32 $0x9300  }
0x4f: {  	[tilespmem:s1], [sflag:$0x1] =	stream.indirect_vreg.gather [hbm4b:s3+s2], $0x80, v4, vm0, $0xb8;
	[tilespmem:$0x1F300] =	vst v63  }
0x50: {  	s4 =	simm.s32 $0x9B00;
	v3 =	vperm.xlane v3, v2  }
0x51: {  	[tilespmem:s4], [sflag:$0x1] =	stream.indirect_vreg.gather [hbm4b:s5+s2], $0x80, v4, vm0, $0xb8;
	[tilespmem:$0x1F300] =	vst v63  }
0x52: {  	s7 =	simm.s32 $0xA300;
	v3 =	vadd.s32 v1, v3  }
0x53: {  	[tilespmem:s7], [sflag:$0x1] =	stream.indirect_vreg.gather [hbm4b:s6+s2], $0x80, v4, vm0, $0xb8;
	[tilespmem:$0x1F300] =	vst v63  }
0x54: {  	s10 =	simm.s32 $0xAB00  }
0x55: {  	[tilespmem:s10], [sflag:$0x1] =	stream.indirect_vreg.gather [hbm4b:s8+s2], $0x80, v4, vm0, $0xb8;
	[tilespmem:$0x1F300] =	vst v63  }
0x56: {  	s12 =	simm.s32 $0xB300  }
0x57: {  	[tilespmem:s12], [sflag:$0x1] =	stream.indirect_vreg.gather [hbm4b:s3+s2], $0x80, v3, vm0, $0xb8;
	[tilespmem:$0x1F300] =	vst v63  }
0x58: {  	s13 =	simm.s32 $0xBB00  }
0x59: {  	[tilespmem:s13], [sflag:$0x1] =	stream.indirect_vreg.gather [hbm4b:s5+s2], $0x80, v3, vm0, $0xb8;
	[tilespmem:$0x1F300] =	vst v63  }
0x5a: {  	s14 =	simm.s32 $0xC300  }
0x5b: {  	[tilespmem:s14], [sflag:$0x1] =	stream.indirect_vreg.gather [hbm4b:s6+s2], $0x80, v3, vm0, $0xb8;
	[tilespmem:$0x1F300] =	vst v63  }
0x5c: {  	s15 =	simm.s32 $0xCB00  }
0x5d: {  	[tilespmem:s15], [sflag:$0x1] =	stream.indirect_vreg.gather [hbm4b:s8+s2], $0x80, v3, vm0, $0xb8;
	[tilespmem:$0x1F300] =	vst v63  }
0x5e: {  	v3 =	vld.msk [tilespmem:$0x30], $0xff;
	_ =	sdelay $0x4  }
0x5f: {  	v59 =	vshll.u32 v3, $0x3  }
0x60: {  	v3 =	vand.u32 $0x7, v3;
	v4 =	vand.u32 $0xFFFFFFC0, v59  }
0x61: {  	v3 =	vor.u32 v3, v4  }
0x62: {  	v3 =	vperm.xlane v3, v0;
	_ =	sdelay $0x1  }
0x63: {  	v3 =	vadd.s32 v1, v3;
	_ =	sdelay $0x3  }
0x64: {  	s16 =	simm.s32 $0xD300  }
0x65: {  	[tilespmem:s16], [sflag:$0x1] =	stream.indirect_vreg.gather [hbm4b:s3+s2], $0x80, v3, vm0, $0xb8;
	[tilespmem:$0x1F300] =	vst v63  }
0x66: {  	s17 =	simm.s32 $0xDB00  }
0x67: {  	[tilespmem:s17], [sflag:$0x1] =	stream.indirect_vreg.gather [hbm4b:s5+s2], $0x80, v3, vm0, $0xb8;
	[tilespmem:$0x1F300] =	vst v63  }
0x68: {  	s18 =	simm.s32 $0xE300  }
0x69: {  	[tilespmem:s18], [sflag:$0x1] =	stream.indirect_vreg.gather [hbm4b:s6+s2], $0x80, v3, vm0, $0xb8;
	[tilespmem:$0x1F300] =	vst v63  }
0x6a: {  	s19 =	simm.s32 $0xEB00  }
0x6b: {  	[tilespmem:s19], [sflag:$0x1] =	stream.indirect_vreg.gather [hbm4b:s8+s2], $0x80, v3, vm0, $0xb8;
	[tilespmem:$0x1F300] =	vst v63  }
0x6c: {  	v3 =	vld [tilespmem:$0x38];
	_ =	sdelay $0x4  }
0x6d: {  	v60 =	vshll.u32 v3, $0x3  }
0x6e: {  	v3 =	vand.u32 $0x7, v3;
	v4 =	vand.u32 $0xFFFFFFC0, v60  }
0x6f: {  	v3 =	vor.u32 v3, v4  }
0x70: {  	v4 =	vperm.xlane v3, v0;
	_ =	sdelay $0x1  }
0x71: {  	v4 =	vadd.s32 v1, v4;
	_ =	sdelay $0x3  }
0x72: {  	s20 =	simm.s32 $0xF300  }
0x73: {  	[tilespmem:s20], [sflag:$0x2] =	stream.indirect_vreg.gather [hbm4b:s3+s2], $0x80, v4, vm0, $0xb8;
	[tilespmem:$0x1F300] =	vst v63  }
0x74: {  	s24 =	simm.s32 $0xFB00;
	v3 =	vperm.xlane v3, v2  }
0x75: {  	[tilespmem:s24], [sflag:$0x2] =	stream.indirect_vreg.gather [hbm4b:s5+s2], $0x80, v4, vm0, $0xb8;
	[tilespmem:$0x1F300] =	vst v63  }
0x76: {  	s25 =	simm.s32 $0x10300;
	v3 =	vadd.s32 v1, v3  }
0x77: {  	[tilespmem:s25], [sflag:$0x2] =	stream.indirect_vreg.gather [hbm4b:s6+s2], $0x80, v4, vm0, $0xb8;
	[tilespmem:$0x1F300] =	vst v63  }
0x78: {  	s26 =	simm.s32 $0x10B00  }
0x79: {  	[tilespmem:s26], [sflag:$0x2] =	stream.indirect_vreg.gather [hbm4b:s8+s2], $0x80, v4, vm0, $0xb8;
	[tilespmem:$0x1F300] =	vst v63  }
0x7a: {  	s28 =	simm.s32 $0x11300  }
0x7b: {  	[tilespmem:s28], [sflag:$0x2] =	stream.indirect_vreg.gather [hbm4b:s3+s2], $0x80, v3, vm0, $0xb8;
	[tilespmem:$0x1F300] =	vst v63  }
0x7c: {  	s29 =	simm.s32 $0x11B00  }
0x7d: {  	[tilespmem:s29], [sflag:$0x2] =	stream.indirect_vreg.gather [hbm4b:s5+s2], $0x80, v3, vm0, $0xb8;
	[tilespmem:$0x1F300] =	vst v63  }
0x7e: {  	s30 =	simm.s32 $0x12300  }
0x7f: {  	[tilespmem:s30], [sflag:$0x2] =	stream.indirect_vreg.gather [hbm4b:s6+s2], $0x80, v3, vm0, $0xb8;
	[tilespmem:$0x1F300] =	vst v63  }
0x80: {  	s31 =	simm.s32 $0x12B00  }
0x81: {  	[tilespmem:s31], [sflag:$0x2] =	stream.indirect_vreg.gather [hbm4b:s8+s2], $0x80, v3, vm0, $0xb8;
	[tilespmem:$0x1F300] =	vst v63  }
0x82: {  	v3 =	vld [tilespmem:$0x48];
	_ =	sdelay $0x4  }
0x83: {  	v61 =	vshll.u32 v3, $0x3  }
0x84: {  	v3 =	vand.u32 $0x7, v3;
	v4 =	vand.u32 $0xFFFFFFC0, v61  }
0x85: {  	v3 =	vor.u32 v3, v4  }
0x86: {  	v4 =	vperm.xlane v3, v0;
	_ =	sdelay $0x1  }
0x87: {  	v4 =	vadd.s32 v1, v4;
	_ =	sdelay $0x3  }
0x88: {  	s1 =	simm.s32 $0x13300  }
0x89: {  	[tilespmem:s1], [sflag:$0x2] =	stream.indirect_vreg.gather [hbm4b:s3+s2], $0x80, v4, vm0, $0xb8;
	[tilespmem:$0x1F300] =	vst v63  }
0x8a: {  	s4 =	simm.s32 $0x13B00;
	v3 =	vperm.xlane v3, v2  }
0x8b: {  	[tilespmem:s4], [sflag:$0x2] =	stream.indirect_vreg.gather [hbm4b:s5+s2], $0x80, v4, vm0, $0xb8;
	[tilespmem:$0x1F300] =	vst v63  }
0x8c: {  	s7 =	simm.s32 $0x14300;
	v3 =	vadd.s32 v1, v3  }
0x8d: {  	[tilespmem:s7], [sflag:$0x2] =	stream.indirect_vreg.gather [hbm4b:s6+s2], $0x80, v4, vm0, $0xb8;
	[tilespmem:$0x1F300] =	vst v63  }
0x8e: {  	s10 =	simm.s32 $0x14B00  }
0x8f: {  	[tilespmem:s10], [sflag:$0x2] =	stream.indirect_vreg.gather [hbm4b:s8+s2], $0x80, v4, vm0, $0xb8;
	[tilespmem:$0x1F300] =	vst v63  }
0x90: {  	s12 =	simm.s32 $0x15300  }
0x91: {  	[tilespmem:s12], [sflag:$0x2] =	stream.indirect_vreg.gather [hbm4b:s3+s2], $0x80, v3, vm0, $0xb8;
	[tilespmem:$0x1F300] =	vst v63  }
0x92: {  	s13 =	simm.s32 $0x15B00  }
0x93: {  	[tilespmem:s13], [sflag:$0x2] =	stream.indirect_vreg.gather [hbm4b:s5+s2], $0x80, v3, vm0, $0xb8;
	[tilespmem:$0x1F300] =	vst v63  }
0x94: {  	s14 =	simm.s32 $0x16300  }
0x95: {  	[tilespmem:s14], [sflag:$0x2] =	stream.indirect_vreg.gather [hbm4b:s6+s2], $0x80, v3, vm0, $0xb8;
	[tilespmem:$0x1F300] =	vst v63  }
0x96: {  	s15 =	simm.s32 $0x16B00  }
0x97: {  	[tilespmem:s15], [sflag:$0x2] =	stream.indirect_vreg.gather [hbm4b:s8+s2], $0x80, v3, vm0, $0xb8;
	[tilespmem:$0x1F300] =	vst v63  }
0x98: {  	v3 =	vld [tilespmem:$0x58];
	_ =	sdelay $0x4  }
0x99: {  	v62 =	vshll.u32 v3, $0x3  }
0x9a: {  	v3 =	vand.u32 $0x7, v3;
	v4 =	vand.u32 $0xFFFFFFC0, v62  }
0x9b: {  	v3 =	vor.u32 v3, v4  }
0x9c: {  	v4 =	vperm.xlane v3, v0;
	_ =	sdelay $0x1  }
0x9d: {  	v4 =	vadd.s32 v1, v4;
	_ =	sdelay $0x3  }
0x9e: {  	s16 =	simm.s32 $0x17300  }
0x9f: {  	[tilespmem:s16], [sflag:$0x2] =	stream.indirect_vreg.gather [hbm4b:s3+s2], $0x80, v4, vm0, $0xb8;
	[tilespmem:$0x1F300] =	vst v63  }
0xa0: {  	s17 =	simm.s32 $0x17B00;
	v3 =	vperm.xlane v3, v2  }
0xa1: {  	[tilespmem:s17], [sflag:$0x2] =	stream.indirect_vreg.gather [hbm4b:s5+s2], $0x80, v4, vm0, $0xb8;
	[tilespmem:$0x1F300] =	vst v63  }
0xa2: {  	s18 =	simm.s32 $0x18300;
	v3 =	vadd.s32 v1, v3  }
0xa3: {  	[tilespmem:s18], [sflag:$0x2] =	stream.indirect_vreg.gather [hbm4b:s6+s2], $0x80, v4, vm0, $0xb8;
	[tilespmem:$0x1F300] =	vst v63  }
0xa4: {  	s19 =	simm.s32 $0x18B00  }
0xa5: {  	[tilespmem:s19], [sflag:$0x2] =	stream.indirect_vreg.gather [hbm4b:s8+s2], $0x80, v4, vm0, $0xb8;
	[tilespmem:$0x1F300] =	vst v63  }
0xa6: {  	s20 =	simm.s32 $0x19300  }
0xa7: {  	[tilespmem:s20], [sflag:$0x2] =	stream.indirect_vreg.gather [hbm4b:s3+s2], $0x80, v3, vm0, $0xb8;
	[tilespmem:$0x1F300] =	vst v63  }
0xa8: {  	s24 =	simm.s32 $0x19B00  }
0xa9: {  	[tilespmem:s24], [sflag:$0x2] =	stream.indirect_vreg.gather [hbm4b:s5+s2], $0x80, v3, vm0, $0xb8;
	[tilespmem:$0x1F300] =	vst v63  }
0xaa: {  	s25 =	simm.s32 $0x1A300  }
0xab: {  	[tilespmem:s25], [sflag:$0x2] =	stream.indirect_vreg.gather [hbm4b:s6+s2], $0x80, v3, vm0, $0xb8;
	[tilespmem:$0x1F300] =	vst v63  }
0xac: {  	s26 =	simm.s32 $0x1AB00  }
0xad: {  	[tilespmem:s26], [sflag:$0x2] =	stream.indirect_vreg.gather [hbm4b:s8+s2], $0x80, v3, vm0, $0xb8;
	[tilespmem:$0x1F300] =	vst v63  }
0xae: {  	v3 =	vld.msk [tilespmem:$0x68], $0xff;
	_ =	sdelay $0x4  }
0xaf: {  	v63 =	vshll.u32 v3, $0x3  }
0xb0: {  	v3 =	vand.u32 $0x7, v3;
	v4 =	vand.u32 $0xFFFFFFC0, v63  }
0xb1: {  	v3 =	vor.u32 v3, v4  }
0xb2: {  	v3 =	vperm.xlane v3, v0;
	_ =	sdelay $0x1  }
0xb3: {  	v3 =	vadd.s32 v1, v3;
	_ =	sdelay $0x3  }
0xb4: {  	s28 =	simm.s32 $0x1B300  }
0xb5: {  	[tilespmem:s28], [sflag:$0x2] =	stream.indirect_vreg.gather [hbm4b:s3+s2], $0x80, v3, vm0, $0xb8;
	[tilespmem:$0x1F300] =	vst v63  }
0xb6: {  	s29 =	simm.s32 $0x1BB00  }
0xb7: {  	[tilespmem:s29], [sflag:$0x2] =	stream.indirect_vreg.gather [hbm4b:s5+s2], $0x80, v3, vm0, $0xb8;
	[tilespmem:$0x1F300] =	vst v63  }
0xb8: {  	s30 =	simm.s32 $0x1C300  }
0xb9: {  	[tilespmem:s30], [sflag:$0x2] =	stream.indirect_vreg.gather [hbm4b:s6+s2], $0x80, v3, vm0, $0xb8;
	[tilespmem:$0x1F300] =	vst v63  }
0xba: {  	s31 =	simm.s32 $0x1CB00;
	s24 =	simm.s32 $0x0  }
0xbb: {  	[tilespmem:s31], [sflag:$0x2] =	stream.indirect_vreg.gather [hbm4b:s8+s2], $0x80, v3, vm0, $0xb8;
	[tilespmem:$0x1F300] =	vst v63  }
.LBB2_2:
0xbc: {  	s0 =	smul.u32 $0x1C0, s24;
	_ =	sdelay $0x1  }
0xbd: {  	_ =	swait.ge [sflag:s21], $0xE000;
	s25 =	sshra.s32 s0, $0x2  }
0xbe: {  	[sflag:s21] =	ssyncset.done $0x0;
	s0 =	sadd.s32 $0x980, s25  }
0xbf: {  	s26 =	simm.s32 $0x0;
	s28 =	simm.s32 $0x0;
	[sflag:s21] =	ssyncadd.s32 $0xFFFF2000;
	v3 =	vmov s0  }
.LBB2_3:
0xc0: {  	s0 =	smul.u32 $0x7, s28  }
0xc1: {  	s1 =	smul.u32 $0x1C00, s28  }
0xc2: {  	s4 =	smul.u32 $0x380, s28;
	_ =	sdelay $0x1  }
0xc3: {  	s1 =	sand.u32 $0xE000, s1;
	s7 =	sadd.s32 $0x1, s0;
	s4 =	sand.u32 $0x380, s4  }
0xc4: {  	s13 =	sadd.s32 $0x3, s0;
	s16 =	sadd.s32 $0x4, s0;
	s10 =	sshll.u32 s7, $0xA  }
0xc5: {  	s7 =	sshll.u32 s7, $0x7;
	s1 =	sor.u32 s4, s1;
	s14 =	sshll.u32 s13, $0xA  }
0xc6: {  	s17 =	sshll.u32 s16, $0xA;
	s20 =	sand.u32 $0x1E000, s10;
	s7 =	sand.u32 $0x380, s7  }
0xc7: {  	s1 =	sadd.s32 $0x1300, s1;
	s10 =	sadd.s32 $0x2, s0;
	s18 =	sand.u32 $0x1E000, s17  }
0xc8: {  	s4 =	sor.u32 s7, s20;
	[dreg:$0x3] =	wrdreg s1;
	s12 =	sshll.u32 s10, $0xA  }
0xc9: {  	s20 =	sadd.s32 $0x5, s0;
	s7 =	sadd.s32 $0x1300, s4;
	s4 =	sshll.u32 s10, $0x7  }
0xca: {  	s1 =	sand.u32 $0x1E000, s12;
	s12 =	rddreg [dreg:$0x3];
	s4 =	sand.u32 $0x380, s4  }
0xcb: {  	[dreg:$0x4] =	wrdreg s7;
	s7 =	sshll.u32 s13, $0x7;
	s1 =	sor.u32 s4, s1  }
0xcc: {  	s4 =	sand.u32 $0x1E000, s14;
	s7 =	sand.u32 $0x380, s7;
	s19 =	rddreg [dreg:$0x4]  }
0xcd: {  	s1 =	sadd.s32 $0x1300, s1;
	s15 =	sor.u32 s7, s4;
	s4 =	sshll.u32 s16, $0x7  }
0xce: {  	[dreg:$0x5] =	wrdreg s1;
	s1 =	sadd.s32 $0x1300, s15;
	s4 =	sand.u32 $0x380, s4  }
0xcf: {  	[dreg:$0x6] =	wrdreg s1;
	s1 =	sor.u32 s4, s18;
	s4 =	sand.u32 $0x1C00, s26  }
0xd0: {  	s7 =	sand.u32 $0x60, s26;
	s1 =	sadd.s32 $0x1300, s1;
	s12 =	sadd.s32 s4, s12  }
0xd1: {  	v10 =	vld.idx.msk [tilespmem:v3+s0+$0x0 ss:$0x1], $0xffff;
	[dreg:$0x7] =	wrdreg s1;
	s1 =	sadd.s32 s4, s19;
	s17 =	sadd.s32 s7, s12  }
0xd2: {  	s10 =	sshll.u32 s20, $0x7;
	s13 =	rddreg [dreg:$0x5];
	s14 =	sadd.s32 s7, s1;
	v8 =	vld [tilespmem:s17+$0x0]  }
0xd3: {  	s10 =	sand.u32 $0x380, s10;
	s15 =	sshll.u32 s20, $0xA;
	s13 =	sadd.s32 s4, s13;
	v7 =	vld [tilespmem:s14+$0x0]  }
0xd4: {  	s18 =	sand.u32 $0x1E000, s15;
	s16 =	rddreg [dreg:$0x6];
	s19 =	sadd.s32 s7, s13  }
0xd5: {  	s0 =	sadd.s32 $0x6, s0;
	s10 =	sor.u32 s10, s18;
	v9 =	vld [tilespmem:s19+$0x0];
	s14 =	sadd.s32 s4, s16  }
0xd6: {  	v5 =	vbroadcast v10, $0x0;
	v4 =	vbroadcast v10, $0x1;
	s29 =	sadd.s32 $0x1300, s10;
	s20 =	rddreg [dreg:$0x7];
	s18 =	sadd.s32 s7, s14  }
0xd7: {  	v6 =	vbroadcast v10, $0x2;
	s19 =	sshll.u32 s0, $0xA;
	s0 =	sshll.u32 s0, $0x7;
	s10 =	sadd.s32 s4, s20;
	v11 =	vld [tilespmem:s18+$0x0]  }
0xd8: {  	s15 =	sand.u32 $0x1E000, s19;
	s0 =	sand.u32 $0x380, s0;
	s20 =	sadd.s32 s7, s10;
	v8 =	vmul.f32 v8, v5;
	v12 =	vmul.f32 v7, v4  }
0xd9: {  	s0 =	sor.u32 s0, s15;
	s15 =	sadd.s32 s4, s29;
	v13 =	vld [tilespmem:s20+$0x0]  }
0xda: {  	s30 =	sadd.s32 $0x1300, s0;
	s17 =	sadd.s32 s7, s15;
	v9 =	vmul.f32 v9, v6;
	v7 =	vbroadcast v10, $0x3;
	v12 =	vadd.f32 v12, v8  }
0xdb: {  	s16 =	sadd.s32 s4, s30;
	v14 =	vld [tilespmem:s17+$0x0]  }
0xdc: {  	s18 =	sadd.s32 s7, s16;
	v8 =	vbroadcast v10, $0x4;
	v11 =	vmul.f32 v11, v7;
	v12 =	vadd.f32 v9, v12  }
0xdd: {  	v15 =	vld [tilespmem:s18+$0x0]  }
0xde: {  	v9 =	vbroadcast v10, $0x5;
	v55 =	vmul.f32 v13, v8;
	v11 =	vadd.f32 v11, v12;
	_ =	sdelay $0x1  }
0xdf: {  	v10 =	vbroadcast v10, $0x6;
	v56 =	vmul.f32 v14, v9;
	v11 =	vadd.f32 v55, v11  }
0xe0: {  	s19 =	sshll.u32 s28, $0x7  }
0xe1: {  	s0 =	sand.u32 $0x3FFFFF80, s19;
	v57 =	vmul.f32 v15, v10;
	v11 =	vadd.f32 v56, v11  }
0xe2: {  	s31 =	sadd.s32 $0x1D300, s0  }
0xe3: {  	s4 =	sadd.s32 s4, s31;
	v11 =	vadd.f32 v57, v11  }
0xe4: {  	s20 =	sadd.s32 s7, s4;
	s7 =	sor.u32 $0x10, s7  }
0xe5: {  	s12 =	sadd.s32 s7, s12;
	[tilespmem:s20+$0x0] =	vst v11  }
0xe6: {  	s1 =	sadd.s32 s7, s1;
	v11 =	vld [tilespmem:s12+$0x0]  }
0xe7: {  	v58 =	vld [tilespmem:s1+$0x0]  }
0xe8: {  	s13 =	sadd.s32 s7, s13  }
0xe9: {  	v59 =	vld [tilespmem:s13+$0x0]  }
0xea: {  	s14 =	sadd.s32 s7, s14  }
0xeb: {  	v60 =	vld [tilespmem:s14+$0x0]  }
0xec: {  	s17 =	sadd.s32 s7, s10;
	v11 =	vmul.f32 v11, v5;
	v12 =	vmul.f32 v58, v4  }
0xed: {  	v61 =	vld [tilespmem:s17+$0x0]  }
0xee: {  	s18 =	sadd.s32 s7, s15;
	v13 =	vmul.f32 v59, v6;
	v11 =	vadd.f32 v12, v11  }
0xef: {  	v62 =	vld [tilespmem:s18+$0x0]  }
0xf0: {  	s19 =	sadd.s32 s7, s16;
	v14 =	vmul.f32 v60, v7;
	v11 =	vadd.f32 v13, v11  }
0xf1: {  	v63 =	vld [tilespmem:s19+$0x0]  }
0xf2: {  	v15 =	vmul.f32 v61, v8;
	v11 =	vadd.f32 v14, v11;
	_ =	sdelay $0x1  }
0xf3: {  	s20 =	rddreg [dreg:$0x5];
	v12 =	vmul.f32 v62, v9;
	v11 =	vadd.f32 v15, v11  }
0xf4: {  	s0 =	simm.s32 $0x100;
	s18 =	rddreg [dreg:$0x4]  }
0xf5: {  	s10 =	sand.u32 $0x1C00, s0;
	s16 =	sadd.s32 s7, s4;
	s14 =	rddreg [dreg:$0x6];
	v13 =	vmul.f32 v63, v10;
	v11 =	vadd.f32 v12, v11  }
0xf6: {  	s1 =	simm.s32 $0x2;
	s12 =	simm.s32 $0x20;
	s17 =	rddreg [dreg:$0x3]  }
0xf7: {  	s4 =	sadd.s32 s10, s20;
	s13 =	sand.u32 $0x60, s12;
	s7 =	sadd.s32 s10, s18;
	v11 =	vadd.f32 v13, v11  }
.LBB2_4:
0xf8: {  	_ = 	snop  }
0xf9: {  	s18 =	sadd.s32 s13, s7;
	s17 =	sadd.s32 s10, s17;
	[tilespmem:s16+$0x0] =	vst v11  }
0xfa: {  	s16 =	sadd.s32 s13, s17;
	v11 =	vld [tilespmem:s18+$0x0]  }
0xfb: {  	v12 =	vld [tilespmem:s16+$0x0]  }
0xfc: {  	s16 =	sadd.s32 s13, s4  }
0xfd: {  	s15 =	sadd.s32 s10, s14;
	v13 =	vld [tilespmem:s16+$0x0]  }
0xfe: {  	s19 =	sadd.s32 s13, s15;
	s18 =	rddreg [dreg:$0x7]  }
0xff: {  	v14 =	vld [tilespmem:s19+$0x0];
	s16 =	sadd.s32 s10, s18  }
0x100: {  	s18 =	sadd.s32 s13, s16;
	v12 =	vmul.f32 v12, v5;
	v11 =	vmul.f32 v11, v4  }
0x101: {  	v15 =	vld [tilespmem:s18+$0x0];
	s18 =	sadd.s32 s10, s29  }
0x102: {  	s19 =	sadd.s32 s13, s18;
	v51 =	vmul.f32 v13, v6;
	v11 =	vadd.f32 v11, v12  }
0x103: {  	s14 =	sadd.s32 s10, s30;
	v52 =	vld [tilespmem:s19+$0x0]  }
0x104: {  	s20 =	sadd.s32 s13, s14;
	v53 =	vmul.f32 v14, v7;
	v11 =	vadd.f32 v51, v11  }
0x105: {  	v54 =	vld [tilespmem:s20+$0x0]  }
0x106: {  	v55 =	vmul.f32 v15, v8;
	v11 =	vadd.f32 v53, v11;
	_ =	sdelay $0x1  }
0x107: {  	v56 =	vmul.f32 v52, v9;
	v11 =	vadd.f32 v55, v11;
	_ =	sdelay $0x1  }
0x108: {  	v57 =	vmul.f32 v54, v10;
	v11 =	vadd.f32 v56, v11;
	_ =	sdelay $0x1  }
0x109: {  	s19 =	sadd.s32 s10, s31;
	v11 =	vadd.f32 v57, v11  }
0x10a: {  	s10 =	sadd.s32 s13, s19;
	s13 =	sor.u32 $0x10, s13  }
0x10b: {  	s20 =	sadd.s32 s13, s17;
	[tilespmem:s10+$0x0] =	vst v11  }
0x10c: {  	s7 =	sadd.s32 s13, s7;
	v11 =	vld [tilespmem:s20+$0x0]  }
0x10d: {  	v58 =	vld [tilespmem:s7+$0x0]  }
0x10e: {  	s4 =	sadd.s32 s13, s4  }
0x10f: {  	v59 =	vld [tilespmem:s4+$0x0]  }
0x110: {  	s17 =	sadd.s32 s13, s15  }
0x111: {  	v60 =	vld [tilespmem:s17+$0x0]  }
0x112: {  	s16 =	sadd.s32 s13, s16;
	v11 =	vmul.f32 v11, v5;
	v12 =	vmul.f32 v58, v4  }
0x113: {  	v61 =	vld [tilespmem:s16+$0x0]  }
0x114: {  	s20 =	sadd.s32 s13, s18;
	v13 =	vmul.f32 v59, v6;
	v11 =	vadd.f32 v12, v11  }
0x115: {  	v62 =	vld [tilespmem:s20+$0x0]  }
0x116: {  	s17 =	sadd.s32 s13, s14;
	v14 =	vmul.f32 v60, v7;
	v11 =	vadd.f32 v13, v11  }
0x117: {  	v63 =	vld [tilespmem:s17+$0x0]  }
0x118: {  	s1 =	sadd.s32 $0x2, s1;
	v15 =	vmul.f32 v61, v8;
	v11 =	vadd.f32 v14, v11  }
0x119: {  	p0 =	slt.u32 s1, $0x3E  }
.Ltmp2:
0x11a: {  	v12 =	vmul.f32 v62, v9;
	v11 =	vadd.f32 v15, v11;
	(pc) =	sbr.rel @p0 .LBB2_4-.Ltmp2, $4  }
0x11b: {  	s0 =	sadd.s32 $0x100, s0;
	s18 =	rddreg [dreg:$0x5]  }
0x11c: {  	s12 =	sadd.s32 $0x20, s12;
	s10 =	sand.u32 $0x1C00, s0;
	s14 =	rddreg [dreg:$0x6];
	v13 =	vmul.f32 v63, v10;
	v11 =	vadd.f32 v12, v11  }
0x11d: {  	s16 =	sadd.s32 s13, s19;
	s13 =	sand.u32 $0x60, s12;
	s20 =	rddreg [dreg:$0x4]  }
0x11e: {  	s17 =	rddreg [dreg:$0x3];
	s4 =	sadd.s32 s10, s18;
	s7 =	sadd.s32 s10, s20;
	v11 =	vadd.f32 v13, v11  }
0x11f: {  	_ = 	snop  }
0x120: {  	s0 =	sadd.s32 s13, s7;
	s1 =	sadd.s32 s10, s17;
	[tilespmem:s16+$0x0] =	vst v11  }
0x121: {  	s12 =	sadd.s32 s13, s1;
	v11 =	vld [tilespmem:s0+$0x0]  }
0x122: {  	v12 =	vld [tilespmem:s12+$0x0]  }
0x123: {  	s18 =	sadd.s32 s13, s4  }
0x124: {  	s14 =	sadd.s32 s10, s14;
	v13 =	vld [tilespmem:s18+$0x0]  }
0x125: {  	s19 =	rddreg [dreg:$0x7];
	s20 =	sadd.s32 s13, s14  }
0x126: {  	v14 =	vld [tilespmem:s20+$0x0];
	s0 =	sadd.s32 s10, s19  }
0x127: {  	s12 =	sadd.s32 s13, s0;
	v12 =	vmul.f32 v12, v5;
	v11 =	vmul.f32 v11, v4  }
0x128: {  	s29 =	sadd.s32 s10, s29;
	v15 =	vld [tilespmem:s12+$0x0]  }
0x129: {  	s15 =	sadd.s32 s13, s29;
	v49 =	vmul.f32 v13, v6;
	v11 =	vadd.f32 v11, v12  }
0x12a: {  	s16 =	sadd.s32 s10, s30;
	v50 =	vld [tilespmem:s15+$0x0]  }
0x12b: {  	s30 =	sadd.s32 s13, s16;
	v51 =	vmul.f32 v14, v7;
	v11 =	vadd.f32 v49, v11  }
0x12c: {  	v52 =	vld [tilespmem:s30+$0x0]  }
0x12d: {  	v53 =	vmul.f32 v15, v8;
	v11 =	vadd.f32 v51, v11;
	_ =	sdelay $0x1  }
0x12e: {  	v54 =	vmul.f32 v50, v9;
	v11 =	vadd.f32 v53, v11;
	_ =	sdelay $0x1  }
0x12f: {  	v55 =	vmul.f32 v52, v10;
	v11 =	vadd.f32 v54, v11;
	_ =	sdelay $0x1  }
0x130: {  	s10 =	sadd.s32 s10, s31;
	v11 =	vadd.f32 v55, v11  }
0x131: {  	s17 =	sor.u32 $0x10, s13;
	s31 =	sadd.s32 s13, s10  }
0x132: {  	s1 =	sadd.s32 s17, s1;
	[tilespmem:s31+$0x0] =	vst v11  }
0x133: {  	s18 =	sadd.s32 s17, s7;
	v11 =	vld [tilespmem:s1+$0x0]  }
0x134: {  	v56 =	vld [tilespmem:s18+$0x0]  }
0x135: {  	s19 =	sadd.s32 s17, s4  }
0x136: {  	v57 =	vld [tilespmem:s19+$0x0]  }
0x137: {  	s20 =	sadd.s32 s17, s14  }
0x138: {  	v58 =	vld [tilespmem:s20+$0x0]  }
0x139: {  	s0 =	sadd.s32 s17, s0;
	v5 =	vmul.f32 v11, v5;
	v4 =	vmul.f32 v56, v4  }
0x13a: {  	v59 =	vld [tilespmem:s0+$0x0]  }
0x13b: {  	s29 =	sadd.s32 s17, s29;
	v60 =	vmul.f32 v57, v6;
	v4 =	vadd.f32 v4, v5  }
0x13c: {  	v5 =	vld [tilespmem:s29+$0x0]  }
0x13d: {  	s30 =	sadd.s32 s17, s16;
	v61 =	vmul.f32 v58, v7;
	v4 =	vadd.f32 v60, v4  }
0x13e: {  	v62 =	vld [tilespmem:s30+$0x0]  }
0x13f: {  	v63 =	vmul.f32 v59, v8;
	v4 =	vadd.f32 v61, v4;
	_ =	sdelay $0x1  }
0x140: {  	s28 =	sadd.s32 $0x1, s28;
	v5 =	vmul.f32 v5, v9;
	v4 =	vadd.f32 v63, v4  }
0x141: {  	p0 =	sne.s32 s28, $0x8  }
.Ltmp3:
0x142: {  	v6 =	vmul.f32 v62, v10;
	v4 =	vadd.f32 v5, v4;
	(pc) =	sbr.rel @p0 .LBB2_3-.Ltmp3, $4  }
0x143: {  	_ = 	snop  }
0x144: {  	v4 =	vadd.f32 v6, v4  }
0x145: {  	s31 =	sadd.s32 s17, s10  }
0x146: {  	[tilespmem:s31+$0x0] =	vst v4  }
0x147: {  	s0 =	sshll.u32 s24, $0x10;
	p0 =	seq.s32 s24, $0x14  }
.Ltmp4:
0x148: {  	s0 =	sadd.s32 s0, s9;
	(pc) =	sbr.rel @p0 .LBB2_8-.Ltmp4, $4  }
0x149: {  	[hbm4b:s0+s2] =	stream.linear.scatter [tilespmem:s22], [sflag:$0x3], $0x2000, $0x38;
	[tilespmem:$0x1F300] =	vst v63  }
0x14a: {  	_ =	swait.ge [sflag:s11], $0x2000  }
0x14b: {  	[sflag:s11] =	ssyncset.done $0x0  }
0x14c: {  	[sflag:s11] =	ssyncadd.s32 $0xFFFFE000  }
0x14d: {  	v3 =	vld [tilespmem:s25+$0x70];
	_ =	sdelay $0x4  }
0x14e: {  	v4 =	vshll.u32 v3, $0x3  }
0x14f: {  	v3 =	vand.u32 $0x7, v3;
	v4 =	vand.u32 $0xFFFFFFC0, v4  }
0x150: {  	v3 =	vor.u32 v3, v4  }
0x151: {  	v4 =	vperm.xlane v3, v0;
	_ =	sdelay $0x1  }
0x152: {  	v4 =	vadd.s32 v1, v4;
	_ =	sdelay $0x3  }
0x153: {  	s0 =	simm.s32 $0x1300  }
0x154: {  	[tilespmem:s0], [sflag:$0x1] =	stream.indirect_vreg.gather [hbm4b:s3+s2], $0x80, v4, vm0, $0xb8;
	[tilespmem:$0x1F300] =	vst v63  }
0x155: {  	s19 =	simm.s32 $0x1B00;
	v3 =	vperm.xlane v3, v2  }
0x156: {  	[tilespmem:s19], [sflag:$0x1] =	stream.indirect_vreg.gather [hbm4b:s5+s2], $0x80, v4, vm0, $0xb8;
	[tilespmem:$0x1F300] =	vst v63  }
0x157: {  	s20 =	simm.s32 $0x2300;
	v3 =	vadd.s32 v1, v3  }
0x158: {  	[tilespmem:s20], [sflag:$0x1] =	stream.indirect_vreg.gather [hbm4b:s6+s2], $0x80, v4, vm0, $0xb8;
	[tilespmem:$0x1F300] =	vst v63  }
0x159: {  	s22 =	simm.s32 $0x2B00  }
0x15a: {  	[tilespmem:s22], [sflag:$0x1] =	stream.indirect_vreg.gather [hbm4b:s8+s2], $0x80, v4, vm0, $0xb8;
	[tilespmem:$0x1F300] =	vst v63  }
0x15b: {  	s26 =	simm.s32 $0x3300  }
0x15c: {  	[tilespmem:s26], [sflag:$0x1] =	stream.indirect_vreg.gather [hbm4b:s3+s2], $0x80, v3, vm0, $0xb8;
	[tilespmem:$0x1F300] =	vst v63  }
0x15d: {  	s28 =	simm.s32 $0x3B00  }
0x15e: {  	[tilespmem:s28], [sflag:$0x1] =	stream.indirect_vreg.gather [hbm4b:s5+s2], $0x80, v3, vm0, $0xb8;
	[tilespmem:$0x1F300] =	vst v63  }
0x15f: {  	s29 =	simm.s32 $0x4300  }
0x160: {  	[tilespmem:s29], [sflag:$0x1] =	stream.indirect_vreg.gather [hbm4b:s6+s2], $0x80, v3, vm0, $0xb8;
	[tilespmem:$0x1F300] =	vst v63  }
0x161: {  	s30 =	simm.s32 $0x4B00  }
0x162: {  	[tilespmem:s30], [sflag:$0x1] =	stream.indirect_vreg.gather [hbm4b:s8+s2], $0x80, v3, vm0, $0xb8;
	[tilespmem:$0x1F300] =	vst v63  }
0x163: {  	v3 =	vld [tilespmem:s25+$0x80];
	_ =	sdelay $0x4  }
0x164: {  	v61 =	vshll.u32 v3, $0x3  }
0x165: {  	v3 =	vand.u32 $0x7, v3;
	v4 =	vand.u32 $0xFFFFFFC0, v61  }
0x166: {  	v3 =	vor.u32 v3, v4  }
0x167: {  	v4 =	vperm.xlane v3, v0;
	_ =	sdelay $0x1  }
0x168: {  	v4 =	vadd.s32 v1, v4;
	_ =	sdelay $0x3  }
0x169: {  	s31 =	simm.s32 $0x5300  }
0x16a: {  	[tilespmem:s31], [sflag:$0x1] =	stream.indirect_vreg.gather [hbm4b:s3+s2], $0x80, v4, vm0, $0xb8;
	[tilespmem:$0x1F300] =	vst v63  }
0x16b: {  	s1 =	simm.s32 $0x5B00;
	v3 =	vperm.xlane v3, v2  }
0x16c: {  	[tilespmem:s1], [sflag:$0x1] =	stream.indirect_vreg.gather [hbm4b:s5+s2], $0x80, v4, vm0, $0xb8;
	[tilespmem:$0x1F300] =	vst v63  }
0x16d: {  	s4 =	simm.s32 $0x6300;
	v3 =	vadd.s32 v1, v3  }
0x16e: {  	[tilespmem:s4], [sflag:$0x1] =	stream.indirect_vreg.gather [hbm4b:s6+s2], $0x80, v4, vm0, $0xb8;
	[tilespmem:$0x1F300] =	vst v63  }
0x16f: {  	s7 =	simm.s32 $0x6B00  }
0x170: {  	[tilespmem:s7], [sflag:$0x1] =	stream.indirect_vreg.gather [hbm4b:s8+s2], $0x80, v4, vm0, $0xb8;
	[tilespmem:$0x1F300] =	vst v63  }
0x171: {  	s10 =	simm.s32 $0x7300  }
0x172: {  	[tilespmem:s10], [sflag:$0x1] =	stream.indirect_vreg.gather [hbm4b:s3+s2], $0x80, v3, vm0, $0xb8;
	[tilespmem:$0x1F300] =	vst v63  }
0x173: {  	s12 =	simm.s32 $0x7B00  }
0x174: {  	[tilespmem:s12], [sflag:$0x1] =	stream.indirect_vreg.gather [hbm4b:s5+s2], $0x80, v3, vm0, $0xb8;
	[tilespmem:$0x1F300] =	vst v63  }
0x175: {  	s13 =	simm.s32 $0x8300  }
0x176: {  	[tilespmem:s13], [sflag:$0x1] =	stream.indirect_vreg.gather [hbm4b:s6+s2], $0x80, v3, vm0, $0xb8;
	[tilespmem:$0x1F300] =	vst v63  }
0x177: {  	s14 =	simm.s32 $0x8B00  }
0x178: {  	[tilespmem:s14], [sflag:$0x1] =	stream.indirect_vreg.gather [hbm4b:s8+s2], $0x80, v3, vm0, $0xb8;
	[tilespmem:$0x1F300] =	vst v63  }
0x179: {  	v3 =	vld [tilespmem:s25+$0x90];
	_ =	sdelay $0x4  }
0x17a: {  	v62 =	vshll.u32 v3, $0x3  }
0x17b: {  	v3 =	vand.u32 $0x7, v3;
	v4 =	vand.u32 $0xFFFFFFC0, v62  }
0x17c: {  	v3 =	vor.u32 v3, v4  }
0x17d: {  	v4 =	vperm.xlane v3, v0;
	_ =	sdelay $0x1  }
0x17e: {  	v4 =	vadd.s32 v1, v4;
	_ =	sdelay $0x3  }
0x17f: {  	s15 =	simm.s32 $0x9300  }
0x180: {  	[tilespmem:s15], [sflag:$0x1] =	stream.indirect_vreg.gather [hbm4b:s3+s2], $0x80, v4, vm0, $0xb8;
	[tilespmem:$0x1F300] =	vst v63  }
0x181: {  	s16 =	simm.s32 $0x9B00;
	v3 =	vperm.xlane v3, v2  }
0x182: {  	[tilespmem:s16], [sflag:$0x1] =	stream.indirect_vreg.gather [hbm4b:s5+s2], $0x80, v4, vm0, $0xb8;
	[tilespmem:$0x1F300] =	vst v63  }
0x183: {  	s17 =	simm.s32 $0xA300;
	v3 =	vadd.s32 v1, v3  }
0x184: {  	[tilespmem:s17], [sflag:$0x1] =	stream.indirect_vreg.gather [hbm4b:s6+s2], $0x80, v4, vm0, $0xb8;
	[tilespmem:$0x1F300] =	vst v63  }
0x185: {  	s18 =	simm.s32 $0xAB00  }
0x186: {  	[tilespmem:s18], [sflag:$0x1] =	stream.indirect_vreg.gather [hbm4b:s8+s2], $0x80, v4, vm0, $0xb8;
	[tilespmem:$0x1F300] =	vst v63  }
0x187: {  	s19 =	simm.s32 $0xB300  }
0x188: {  	[tilespmem:s19], [sflag:$0x1] =	stream.indirect_vreg.gather [hbm4b:s3+s2], $0x80, v3, vm0, $0xb8;
	[tilespmem:$0x1F300] =	vst v63  }
0x189: {  	s20 =	simm.s32 $0xBB00  }
0x18a: {  	[tilespmem:s20], [sflag:$0x1] =	stream.indirect_vreg.gather [hbm4b:s5+s2], $0x80, v3, vm0, $0xb8;
	[tilespmem:$0x1F300] =	vst v63  }
0x18b: {  	s22 =	simm.s32 $0xC300  }
0x18c: {  	[tilespmem:s22], [sflag:$0x1] =	stream.indirect_vreg.gather [hbm4b:s6+s2], $0x80, v3, vm0, $0xb8;
	[tilespmem:$0x1F300] =	vst v63  }
0x18d: {  	s26 =	simm.s32 $0xCB00  }
0x18e: {  	[tilespmem:s26], [sflag:$0x1] =	stream.indirect_vreg.gather [hbm4b:s8+s2], $0x80, v3, vm0, $0xb8;
	[tilespmem:$0x1F300] =	vst v63  }
0x18f: {  	v3 =	vld.msk [tilespmem:s25+$0xA0], $0xff;
	_ =	sdelay $0x4  }
0x190: {  	v63 =	vshll.u32 v3, $0x3  }
0x191: {  	v3 =	vand.u32 $0x7, v3;
	v4 =	vand.u32 $0xFFFFFFC0, v63  }
0x192: {  	v3 =	vor.u32 v3, v4  }
0x193: {  	v3 =	vperm.xlane v3, v0;
	_ =	sdelay $0x1  }
0x194: {  	v3 =	vadd.s32 v1, v3;
	_ =	sdelay $0x3  }
0x195: {  	s28 =	simm.s32 $0xD300  }
0x196: {  	[tilespmem:s28], [sflag:$0x1] =	stream.indirect_vreg.gather [hbm4b:s3+s2], $0x80, v3, vm0, $0xb8;
	[tilespmem:$0x1F300] =	vst v63  }
0x197: {  	s29 =	simm.s32 $0xDB00  }
0x198: {  	[tilespmem:s29], [sflag:$0x1] =	stream.indirect_vreg.gather [hbm4b:s5+s2], $0x80, v3, vm0, $0xb8;
	[tilespmem:$0x1F300] =	vst v63  }
0x199: {  	s30 =	simm.s32 $0xE300  }
0x19a: {  	[tilespmem:s30], [sflag:$0x1] =	stream.indirect_vreg.gather [hbm4b:s6+s2], $0x80, v3, vm0, $0xb8;
	[tilespmem:$0x1F300] =	vst v63  }
0x19b: {  	s31 =	simm.s32 $0xEB00  }
0x19c: {  	[tilespmem:s31], [sflag:$0x1] =	stream.indirect_vreg.gather [hbm4b:s8+s2], $0x80, v3, vm0, $0xb8;
	[tilespmem:$0x1F300] =	vst v63  }
.LBB2_8:
0x19d: {  	s0 =	sshll.u32 s24, $0x1  }
0x19e: {  	s26 =	sor.u32 $0x1, s0  }
0x19f: {  	s0 =	smul.u32 $0xE0, s26;
	_ =	sdelay $0x1  }
0x1a0: {  	_ =	swait.ge [sflag:s23], $0xE000;
	s0 =	sshra.s32 s0, $0x2  }
0x1a1: {  	[sflag:s23] =	ssyncset.done $0x0;
	s0 =	sadd.s32 $0x980, s0  }
0x1a2: {  	s28 =	simm.s32 $0x0;
	s29 =	simm.s32 $0x0;
	[sflag:s23] =	ssyncadd.s32 $0xFFFF2000;
	v3 =	vmov s0  }
.LBB2_9:
0x1a3: {  	s0 =	smul.u32 $0x7, s29  }
0x1a4: {  	s1 =	smul.u32 $0x1C00, s29  }
0x1a5: {  	s4 =	smul.u32 $0x380, s29;
	_ =	sdelay $0x1  }
0x1a6: {  	s1 =	sand.u32 $0xE000, s1;
	s7 =	sadd.s32 $0x1, s0;
	s4 =	sand.u32 $0x380, s4  }
0x1a7: {  	s12 =	sadd.s32 $0x2, s0;
	s14 =	sadd.s32 $0x3, s0;
	s17 =	sadd.s32 $0x4, s0  }
0x1a8: {  	s10 =	sshll.u32 s7, $0xA;
	s7 =	sshll.u32 s7, $0x7;
	s1 =	sor.u32 s4, s1  }
0x1a9: {  	s13 =	sshll.u32 s12, $0xA;
	s15 =	sshll.u32 s14, $0xA;
	s18 =	sshll.u32 s17, $0xA  }
0x1aa: {  	s22 =	sand.u32 $0x1E000, s10;
	s7 =	sand.u32 $0x380, s7;
	s1 =	sadd.s32 $0xF300, s1  }
0x1ab: {  	s19 =	sand.u32 $0x1E000, s18;
	s4 =	sor.u32 s7, s22;
	[dreg:$0x8] =	wrdreg s1  }
0x1ac: {  	s1 =	sand.u32 $0x1E000, s13;
	s7 =	sshll.u32 s14, $0x7;
	s13 =	sadd.s32 $0x5, s0  }
0x1ad: {  	v10 =	vld.idx.msk [tilespmem:v3+s0+$0x0 ss:$0x1], $0xffff;
	s0 =	sadd.s32 $0x6, s0;
	s10 =	sadd.s32 $0xF300, s4;
	s4 =	sshll.u32 s12, $0x7  }
0x1ae: {  	s7 =	sand.u32 $0x380, s7;
	s12 =	rddreg [dreg:$0x8];
	s4 =	sand.u32 $0x380, s4  }
0x1af: {  	[dreg:$0x9] =	wrdreg s10;
	s10 =	sand.u32 $0x60, s28;
	s1 =	sor.u32 s4, s1  }
0x1b0: {  	s4 =	sand.u32 $0x1E000, s15;
	s20 =	rddreg [dreg:$0x9];
	s15 =	sshll.u32 s13, $0xA  }
0x1b1: {  	s1 =	sadd.s32 $0xF300, s1;
	s16 =	sor.u32 s7, s4;
	s4 =	sshll.u32 s17, $0x7  }
0x1b2: {  	s7 =	sand.u32 $0x1C00, s28;
	[dreg:$0xa] =	wrdreg s1;
	s1 =	sadd.s32 $0xF300, s16  }
0x1b3: {  	s4 =	sand.u32 $0x380, s4;
	s12 =	sadd.s32 s7, s12;
	[dreg:$0xb] =	wrdreg s1  }
0x1b4: {  	s1 =	sor.u32 s4, s19;
	s4 =	sadd.s32 s7, s20;
	s17 =	sadd.s32 s10, s12  }
0x1b5: {  	s13 =	sshll.u32 s13, $0x7;
	s22 =	rddreg [dreg:$0xa];
	s14 =	sadd.s32 s10, s4;
	v8 =	vld [tilespmem:s17+$0x0]  }
0x1b6: {  	s18 =	sand.u32 $0x1E000, s15;
	s19 =	sand.u32 $0x380, s13;
	s15 =	sadd.s32 s7, s22;
	v7 =	vld [tilespmem:s14+$0x0]  }
0x1b7: {  	s1 =	sadd.s32 $0xF300, s1;
	s16 =	rddreg [dreg:$0xb];
	s20 =	sadd.s32 s10, s15  }
0x1b8: {  	[dreg:$0xc] =	wrdreg s1;
	s1 =	sor.u32 s19, s18;
	s14 =	sadd.s32 s7, s16;
	v9 =	vld [tilespmem:s20+$0x0]  }
0x1b9: {  	v5 =	vbroadcast v10, $0x0;
	v4 =	vbroadcast v10, $0x1;
	s19 =	sshll.u32 s0, $0xA;
	s22 =	rddreg [dreg:$0xc];
	s18 =	sadd.s32 s10, s14  }
0x1ba: {  	v6 =	vbroadcast v10, $0x2;
	s0 =	sshll.u32 s0, $0x7;
	s30 =	sadd.s32 $0xF300, s1;
	v11 =	vld [tilespmem:s18+$0x0];
	s16 =	sadd.s32 s7, s22  }
0x1bb: {  	s20 =	sand.u32 $0x1E000, s19;
	s0 =	sand.u32 $0x380, s0;
	s22 =	sadd.s32 s10, s16;
	v8 =	vmul.f32 v8, v5;
	v12 =	vmul.f32 v7, v4  }
0x1bc: {  	s0 =	sor.u32 s0, s20;
	s13 =	sadd.s32 s7, s30;
	v13 =	vld [tilespmem:s22+$0x0]  }
0x1bd: {  	s31 =	sadd.s32 $0xF300, s0;
	s1 =	sadd.s32 s10, s13;
	v7 =	vbroadcast v10, $0x3;
	v9 =	vmul.f32 v9, v6;
	v12 =	vadd.f32 v12, v8  }
0x1be: {  	s17 =	sadd.s32 s7, s31;
	v14 =	vld [tilespmem:s1+$0x0]  }
0x1bf: {  	s18 =	sadd.s32 s10, s17;
	v8 =	vbroadcast v10, $0x4;
	v11 =	vmul.f32 v11, v7;
	v12 =	vadd.f32 v9, v12  }
0x1c0: {  	v15 =	vld [tilespmem:s18+$0x0]  }
0x1c1: {  	v9 =	vbroadcast v10, $0x5;
	v55 =	vmul.f32 v13, v8;
	v11 =	vadd.f32 v11, v12;
	_ =	sdelay $0x1  }
0x1c2: {  	v10 =	vbroadcast v10, $0x6;
	v56 =	vmul.f32 v14, v9;
	v11 =	vadd.f32 v55, v11  }
0x1c3: {  	s19 =	sshll.u32 s29, $0x7  }
0x1c4: {  	s0 =	sand.u32 $0x3FFFFF80, s19;
	v57 =	vmul.f32 v15, v10;
	v11 =	vadd.f32 v56, v11  }
0x1c5: {  	s1 =	sadd.s32 $0x1D300, s0  }
0x1c6: {  	s7 =	sadd.s32 s7, s1;
	v11 =	vadd.f32 v57, v11  }
0x1c7: {  	s20 =	sadd.s32 s10, s7;
	s10 =	sor.u32 $0x10, s10  }
0x1c8: {  	s22 =	sadd.s32 s10, s12;
	[tilespmem:s20+$0x0] =	vst v11  }
0x1c9: {  	s4 =	sadd.s32 s10, s4;
	v11 =	vld [tilespmem:s22+$0x0]  }
0x1ca: {  	v58 =	vld [tilespmem:s4+$0x0]  }
0x1cb: {  	s12 =	sadd.s32 s10, s15  }
0x1cc: {  	v59 =	vld [tilespmem:s12+$0x0]  }
0x1cd: {  	s15 =	sadd.s32 s10, s14  }
0x1ce: {  	v60 =	vld [tilespmem:s15+$0x0]  }
0x1cf: {  	s18 =	sadd.s32 s10, s16;
	v11 =	vmul.f32 v11, v5;
	v12 =	vmul.f32 v58, v4  }
0x1d0: {  	v61 =	vld [tilespmem:s18+$0x0]  }
0x1d1: {  	s19 =	sadd.s32 s10, s13;
	v13 =	vmul.f32 v59, v6;
	v11 =	vadd.f32 v12, v11  }
0x1d2: {  	v62 =	vld [tilespmem:s19+$0x0]  }
0x1d3: {  	s20 =	sadd.s32 s10, s17;
	v14 =	vmul.f32 v60, v7;
	v11 =	vadd.f32 v13, v11  }
0x1d4: {  	v63 =	vld [tilespmem:s20+$0x0]  }
0x1d5: {  	v15 =	vmul.f32 v61, v8;
	v11 =	vadd.f32 v14, v11;
	_ =	sdelay $0x1  }
0x1d6: {  	s22 =	rddreg [dreg:$0xa];
	v12 =	vmul.f32 v62, v9;
	v11 =	vadd.f32 v15, v11  }
0x1d7: {  	s0 =	simm.s32 $0x2;
	s19 =	rddreg [dreg:$0x9]  }
0x1d8: {  	s17 =	sadd.s32 s10, s7;
	s15 =	rddreg [dreg:$0xb];
	s12 =	simm.s32 $0x100;
	v13 =	vmul.f32 v63, v10;
	v11 =	vadd.f32 v12, v11  }
0x1d9: {  	s4 =	simm.s32 $0x20;
	s18 =	rddreg [dreg:$0x8];
	s13 =	sand.u32 $0x1C00, s12  }
0x1da: {  	s14 =	sand.u32 $0x60, s4;
	s10 =	sadd.s32 s13, s19;
	s7 =	sadd.s32 s13, s22;
	v11 =	vadd.f32 v13, v11  }
.LBB2_10:
0x1db: {  	_ = 	snop  }
0x1dc: {  	s19 =	sadd.s32 s14, s10;
	s18 =	sadd.s32 s13, s18;
	[tilespmem:s17+$0x0] =	vst v11  }
0x1dd: {  	s17 =	sadd.s32 s14, s18;
	v11 =	vld [tilespmem:s19+$0x0]  }
0x1de: {  	v12 =	vld [tilespmem:s17+$0x0]  }
0x1df: {  	s17 =	sadd.s32 s14, s7  }
0x1e0: {  	s16 =	sadd.s32 s13, s15;
	v13 =	vld [tilespmem:s17+$0x0]  }
0x1e1: {  	s20 =	sadd.s32 s14, s16;
	s19 =	rddreg [dreg:$0xc]  }
0x1e2: {  	v14 =	vld [tilespmem:s20+$0x0];
	s17 =	sadd.s32 s13, s19  }
0x1e3: {  	s19 =	sadd.s32 s14, s17;
	v12 =	vmul.f32 v12, v5;
	v11 =	vmul.f32 v11, v4  }
0x1e4: {  	v15 =	vld [tilespmem:s19+$0x0];
	s19 =	sadd.s32 s13, s30  }
0x1e5: {  	s20 =	sadd.s32 s14, s19;
	v51 =	vmul.f32 v13, v6;
	v11 =	vadd.f32 v11, v12  }
0x1e6: {  	s15 =	sadd.s32 s13, s31;
	v52 =	vld [tilespmem:s20+$0x0]  }
0x1e7: {  	s22 =	sadd.s32 s14, s15;
	v53 =	vmul.f32 v14, v7;
	v11 =	vadd.f32 v51, v11  }
0x1e8: {  	v54 =	vld [tilespmem:s22+$0x0]  }
0x1e9: {  	v55 =	vmul.f32 v15, v8;
	v11 =	vadd.f32 v53, v11;
	_ =	sdelay $0x1  }
0x1ea: {  	v56 =	vmul.f32 v52, v9;
	v11 =	vadd.f32 v55, v11;
	_ =	sdelay $0x1  }
0x1eb: {  	v57 =	vmul.f32 v54, v10;
	v11 =	vadd.f32 v56, v11;
	_ =	sdelay $0x1  }
0x1ec: {  	s20 =	sadd.s32 s13, s1;
	v11 =	vadd.f32 v57, v11  }
0x1ed: {  	s13 =	sadd.s32 s14, s20;
	s14 =	sor.u32 $0x10, s14  }
0x1ee: {  	s22 =	sadd.s32 s14, s18;
	[tilespmem:s13+$0x0] =	vst v11  }
0x1ef: {  	s10 =	sadd.s32 s14, s10;
	v11 =	vld [tilespmem:s22+$0x0]  }
0x1f0: {  	v58 =	vld [tilespmem:s10+$0x0]  }
0x1f1: {  	s7 =	sadd.s32 s14, s7  }
0x1f2: {  	v59 =	vld [tilespmem:s7+$0x0]  }
0x1f3: {  	s18 =	sadd.s32 s14, s16  }
0x1f4: {  	v60 =	vld [tilespmem:s18+$0x0]  }
0x1f5: {  	s17 =	sadd.s32 s14, s17;
	v11 =	vmul.f32 v11, v5;
	v12 =	vmul.f32 v58, v4  }
0x1f6: {  	v61 =	vld [tilespmem:s17+$0x0]  }
0x1f7: {  	s22 =	sadd.s32 s14, s19;
	v13 =	vmul.f32 v59, v6;
	v11 =	vadd.f32 v12, v11  }
0x1f8: {  	v62 =	vld [tilespmem:s22+$0x0]  }
0x1f9: {  	s18 =	sadd.s32 s14, s15;
	v14 =	vmul.f32 v60, v7;
	v11 =	vadd.f32 v13, v11  }
0x1fa: {  	v63 =	vld [tilespmem:s18+$0x0]  }
0x1fb: {  	s0 =	sadd.s32 $0x2, s0;
	v15 =	vmul.f32 v61, v8;
	v11 =	vadd.f32 v14, v11  }
0x1fc: {  	p1 =	slt.u32 s0, $0x3E  }
.Ltmp5:
0x1fd: {  	v12 =	vmul.f32 v62, v9;
	v11 =	vadd.f32 v15, v11;
	(pc) =	sbr.rel @p1 .LBB2_10-.Ltmp5, $4  }
0x1fe: {  	s12 =	sadd.s32 $0x100, s12;
	s19 =	rddreg [dreg:$0xa]  }
0x1ff: {  	s4 =	sadd.s32 $0x20, s4;
	s13 =	sand.u32 $0x1C00, s12;
	s15 =	rddreg [dreg:$0xb];
	v13 =	vmul.f32 v63, v10;
	v11 =	vadd.f32 v12, v11  }
0x200: {  	s17 =	sadd.s32 s14, s20;
	s14 =	sand.u32 $0x60, s4;
	s22 =	rddreg [dreg:$0x9]  }
0x201: {  	s18 =	rddreg [dreg:$0x8];
	s7 =	sadd.s32 s13, s19;
	s10 =	sadd.s32 s13, s22;
	v11 =	vadd.f32 v13, v11  }
0x202: {  	_ = 	snop  }
0x203: {  	s0 =	sadd.s32 s14, s10;
	s4 =	sadd.s32 s13, s18;
	[tilespmem:s17+$0x0] =	vst v11  }
0x204: {  	s12 =	sadd.s32 s14, s4;
	v11 =	vld [tilespmem:s0+$0x0]  }
0x205: {  	v12 =	vld [tilespmem:s12+$0x0]  }
0x206: {  	s20 =	sadd.s32 s14, s7  }
0x207: {  	s15 =	sadd.s32 s13, s15;
	v13 =	vld [tilespmem:s20+$0x0]  }
0x208: {  	s22 =	rddreg [dreg:$0xc];
	s16 =	sadd.s32 s14, s15  }
0x209: {  	s17 =	sadd.s32 s13, s22;
	v14 =	vld [tilespmem:s16+$0x0]  }
0x20a: {  	s12 =	sadd.s32 s14, s17;
	v12 =	vmul.f32 v12, v5;
	v11 =	vmul.f32 v11, v4  }
0x20b: {  	s22 =	sadd.s32 s13, s30;
	v15 =	vld [tilespmem:s12+$0x0]  }
0x20c: {  	s16 =	sadd.s32 s14, s22;
	v49 =	vmul.f32 v13, v6;
	v11 =	vadd.f32 v11, v12  }
0x20d: {  	s30 =	sadd.s32 s13, s31;
	v50 =	vld [tilespmem:s16+$0x0]  }
0x20e: {  	s31 =	sadd.s32 s14, s30;
	v51 =	vmul.f32 v14, v7;
	v11 =	vadd.f32 v49, v11  }
0x20f: {  	v52 =	vld [tilespmem:s31+$0x0]  }
0x210: {  	v53 =	vmul.f32 v15, v8;
	v11 =	vadd.f32 v51, v11;
	_ =	sdelay $0x1  }
0x211: {  	v54 =	vmul.f32 v50, v9;
	v11 =	vadd.f32 v53, v11;
	_ =	sdelay $0x1  }
0x212: {  	v55 =	vmul.f32 v52, v10;
	v11 =	vadd.f32 v54, v11;
	_ =	sdelay $0x1  }
0x213: {  	s1 =	sadd.s32 s13, s1;
	v11 =	vadd.f32 v55, v11  }
0x214: {  	s13 =	sadd.s32 s14, s1;
	s16 =	sor.u32 $0x10, s14  }
0x215: {  	s4 =	sadd.s32 s16, s4;
	[tilespmem:s13+$0x0] =	vst v11  }
0x216: {  	s18 =	sadd.s32 s16, s10;
	v11 =	vld [tilespmem:s4+$0x0]  }
0x217: {  	v56 =	vld [tilespmem:s18+$0x0]  }
0x218: {  	s19 =	sadd.s32 s16, s7  }
0x219: {  	v57 =	vld [tilespmem:s19+$0x0]  }
0x21a: {  	s20 =	sadd.s32 s16, s15  }
0x21b: {  	v58 =	vld [tilespmem:s20+$0x0]  }
0x21c: {  	s0 =	sadd.s32 s16, s17;
	v5 =	vmul.f32 v11, v5;
	v4 =	vmul.f32 v56, v4  }
0x21d: {  	v59 =	vld [tilespmem:s0+$0x0]  }
0x21e: {  	s22 =	sadd.s32 s16, s22;
	v60 =	vmul.f32 v57, v6;
	v4 =	vadd.f32 v4, v5  }
0x21f: {  	v5 =	vld [tilespmem:s22+$0x0]  }
0x220: {  	s30 =	sadd.s32 s16, s30;
	v61 =	vmul.f32 v58, v7;
	v4 =	vadd.f32 v60, v4  }
0x221: {  	v62 =	vld [tilespmem:s30+$0x0]  }
0x222: {  	v63 =	vmul.f32 v59, v8;
	v4 =	vadd.f32 v61, v4;
	_ =	sdelay $0x1  }
0x223: {  	s29 =	sadd.s32 $0x1, s29;
	v5 =	vmul.f32 v5, v9;
	v4 =	vadd.f32 v63, v4  }
0x224: {  	p1 =	sne.s32 s29, $0x8  }
.Ltmp6:
0x225: {  	v6 =	vmul.f32 v62, v10;
	v4 =	vadd.f32 v5, v4;
	(pc) =	sbr.rel @p1 .LBB2_9-.Ltmp6, $4  }
0x226: {  	_ = 	snop  }
0x227: {  	v4 =	vadd.f32 v6, v4  }
0x228: {  	s31 =	sadd.s32 s16, s1  }
0x229: {  	[tilespmem:s31+$0x0] =	vst v4  }
0x22a: {  	s0 =	sshll.u32 s26, $0xF  }
.Ltmp7:
0x22b: {  	s22 =	simm.s32 $0x1D300;
	s0 =	sadd.s32 s0, s9;
	(pc) =	sbr.rel @p0 .LBB2_14-.Ltmp7, $4  }
0x22c: {  	[hbm4b:s0+s2] =	stream.linear.scatter [tilespmem:s22], [sflag:$0x3], $0x2000, $0x38;
	[tilespmem:$0x1F300] =	vst v63  }
0x22d: {  	_ =	swait.ge [sflag:s11], $0x2000  }
0x22e: {  	[sflag:s11] =	ssyncset.done $0x0  }
0x22f: {  	[sflag:s11] =	ssyncadd.s32 $0xFFFFE000  }
0x230: {  	v3 =	vld [tilespmem:s25+$0xA8];
	_ =	sdelay $0x4  }
0x231: {  	v4 =	vshll.u32 v3, $0x3  }
0x232: {  	v3 =	vand.u32 $0x7, v3;
	v4 =	vand.u32 $0xFFFFFFC0, v4  }
0x233: {  	v3 =	vor.u32 v3, v4  }
0x234: {  	v4 =	vperm.xlane v3, v0;
	_ =	sdelay $0x1  }
0x235: {  	v4 =	vadd.s32 v1, v4;
	_ =	sdelay $0x3  }
0x236: {  	s0 =	simm.s32 $0xF300  }
0x237: {  	[tilespmem:s0], [sflag:$0x2] =	stream.indirect_vreg.gather [hbm4b:s3+s2], $0x80, v4, vm0, $0xb8;
	[tilespmem:$0x1F300] =	vst v63  }
0x238: {  	s17 =	simm.s32 $0xFB00;
	v3 =	vperm.xlane v3, v2  }
0x239: {  	[tilespmem:s17], [sflag:$0x2] =	stream.indirect_vreg.gather [hbm4b:s5+s2], $0x80, v4, vm0, $0xb8;
	[tilespmem:$0x1F300] =	vst v63  }
0x23a: {  	s18 =	simm.s32 $0x10300;
	v3 =	vadd.s32 v1, v3  }
0x23b: {  	[tilespmem:s18], [sflag:$0x2] =	stream.indirect_vreg.gather [hbm4b:s6+s2], $0x80, v4, vm0, $0xb8;
	[tilespmem:$0x1F300] =	vst v63  }
0x23c: {  	s19 =	simm.s32 $0x10B00  }
0x23d: {  	[tilespmem:s19], [sflag:$0x2] =	stream.indirect_vreg.gather [hbm4b:s8+s2], $0x80, v4, vm0, $0xb8;
	[tilespmem:$0x1F300] =	vst v63  }
0x23e: {  	s20 =	simm.s32 $0x11300  }
0x23f: {  	[tilespmem:s20], [sflag:$0x2] =	stream.indirect_vreg.gather [hbm4b:s3+s2], $0x80, v3, vm0, $0xb8;
	[tilespmem:$0x1F300] =	vst v63  }
0x240: {  	s26 =	simm.s32 $0x11B00  }
0x241: {  	[tilespmem:s26], [sflag:$0x2] =	stream.indirect_vreg.gather [hbm4b:s5+s2], $0x80, v3, vm0, $0xb8;
	[tilespmem:$0x1F300] =	vst v63  }
0x242: {  	s28 =	simm.s32 $0x12300  }
0x243: {  	[tilespmem:s28], [sflag:$0x2] =	stream.indirect_vreg.gather [hbm4b:s6+s2], $0x80, v3, vm0, $0xb8;
	[tilespmem:$0x1F300] =	vst v63  }
0x244: {  	s29 =	simm.s32 $0x12B00  }
0x245: {  	[tilespmem:s29], [sflag:$0x2] =	stream.indirect_vreg.gather [hbm4b:s8+s2], $0x80, v3, vm0, $0xb8;
	[tilespmem:$0x1F300] =	vst v63  }
0x246: {  	v3 =	vld [tilespmem:s25+$0xB8];
	_ =	sdelay $0x4  }
0x247: {  	v61 =	vshll.u32 v3, $0x3  }
0x248: {  	v3 =	vand.u32 $0x7, v3;
	v4 =	vand.u32 $0xFFFFFFC0, v61  }
0x249: {  	v3 =	vor.u32 v3, v4  }
0x24a: {  	v4 =	vperm.xlane v3, v0;
	_ =	sdelay $0x1  }
0x24b: {  	v4 =	vadd.s32 v1, v4;
	_ =	sdelay $0x3  }
0x24c: {  	s30 =	simm.s32 $0x13300  }
0x24d: {  	[tilespmem:s30], [sflag:$0x2] =	stream.indirect_vreg.gather [hbm4b:s3+s2], $0x80, v4, vm0, $0xb8;
	[tilespmem:$0x1F300] =	vst v63  }
0x24e: {  	s31 =	simm.s32 $0x13B00;
	v3 =	vperm.xlane v3, v2  }
0x24f: {  	[tilespmem:s31], [sflag:$0x2] =	stream.indirect_vreg.gather [hbm4b:s5+s2], $0x80, v4, vm0, $0xb8;
	[tilespmem:$0x1F300] =	vst v63  }
0x250: {  	s1 =	simm.s32 $0x14300;
	v3 =	vadd.s32 v1, v3  }
0x251: {  	[tilespmem:s1], [sflag:$0x2] =	stream.indirect_vreg.gather [hbm4b:s6+s2], $0x80, v4, vm0, $0xb8;
	[tilespmem:$0x1F300] =	vst v63  }
0x252: {  	s4 =	simm.s32 $0x14B00  }
0x253: {  	[tilespmem:s4], [sflag:$0x2] =	stream.indirect_vreg.gather [hbm4b:s8+s2], $0x80, v4, vm0, $0xb8;
	[tilespmem:$0x1F300] =	vst v63  }
0x254: {  	s7 =	simm.s32 $0x15300  }
0x255: {  	[tilespmem:s7], [sflag:$0x2] =	stream.indirect_vreg.gather [hbm4b:s3+s2], $0x80, v3, vm0, $0xb8;
	[tilespmem:$0x1F300] =	vst v63  }
0x256: {  	s10 =	simm.s32 $0x15B00  }
0x257: {  	[tilespmem:s10], [sflag:$0x2] =	stream.indirect_vreg.gather [hbm4b:s5+s2], $0x80, v3, vm0, $0xb8;
	[tilespmem:$0x1F300] =	vst v63  }
0x258: {  	s12 =	simm.s32 $0x16300  }
0x259: {  	[tilespmem:s12], [sflag:$0x2] =	stream.indirect_vreg.gather [hbm4b:s6+s2], $0x80, v3, vm0, $0xb8;
	[tilespmem:$0x1F300] =	vst v63  }
0x25a: {  	s13 =	simm.s32 $0x16B00  }
0x25b: {  	[tilespmem:s13], [sflag:$0x2] =	stream.indirect_vreg.gather [hbm4b:s8+s2], $0x80, v3, vm0, $0xb8;
	[tilespmem:$0x1F300] =	vst v63  }
0x25c: {  	v3 =	vld [tilespmem:s25+$0xC8];
	_ =	sdelay $0x4  }
0x25d: {  	v62 =	vshll.u32 v3, $0x3  }
0x25e: {  	v3 =	vand.u32 $0x7, v3;
	v4 =	vand.u32 $0xFFFFFFC0, v62  }
0x25f: {  	v3 =	vor.u32 v3, v4  }
0x260: {  	v4 =	vperm.xlane v3, v0;
	_ =	sdelay $0x1  }
0x261: {  	v4 =	vadd.s32 v1, v4;
	_ =	sdelay $0x3  }
0x262: {  	s14 =	simm.s32 $0x17300  }
0x263: {  	[tilespmem:s14], [sflag:$0x2] =	stream.indirect_vreg.gather [hbm4b:s3+s2], $0x80, v4, vm0, $0xb8;
	[tilespmem:$0x1F300] =	vst v63  }
0x264: {  	s15 =	simm.s32 $0x17B00;
	v3 =	vperm.xlane v3, v2  }
0x265: {  	[tilespmem:s15], [sflag:$0x2] =	stream.indirect_vreg.gather [hbm4b:s5+s2], $0x80, v4, vm0, $0xb8;
	[tilespmem:$0x1F300] =	vst v63  }
0x266: {  	s16 =	simm.s32 $0x18300;
	v3 =	vadd.s32 v1, v3  }
0x267: {  	[tilespmem:s16], [sflag:$0x2] =	stream.indirect_vreg.gather [hbm4b:s6+s2], $0x80, v4, vm0, $0xb8;
	[tilespmem:$0x1F300] =	vst v63  }
0x268: {  	s17 =	simm.s32 $0x18B00  }
0x269: {  	[tilespmem:s17], [sflag:$0x2] =	stream.indirect_vreg.gather [hbm4b:s8+s2], $0x80, v4, vm0, $0xb8;
	[tilespmem:$0x1F300] =	vst v63  }
0x26a: {  	s18 =	simm.s32 $0x19300  }
0x26b: {  	[tilespmem:s18], [sflag:$0x2] =	stream.indirect_vreg.gather [hbm4b:s3+s2], $0x80, v3, vm0, $0xb8;
	[tilespmem:$0x1F300] =	vst v63  }
0x26c: {  	s19 =	simm.s32 $0x19B00  }
0x26d: {  	[tilespmem:s19], [sflag:$0x2] =	stream.indirect_vreg.gather [hbm4b:s5+s2], $0x80, v3, vm0, $0xb8;
	[tilespmem:$0x1F300] =	vst v63  }
0x26e: {  	s20 =	simm.s32 $0x1A300  }
0x26f: {  	[tilespmem:s20], [sflag:$0x2] =	stream.indirect_vreg.gather [hbm4b:s6+s2], $0x80, v3, vm0, $0xb8;
	[tilespmem:$0x1F300] =	vst v63  }
0x270: {  	s26 =	simm.s32 $0x1AB00  }
0x271: {  	[tilespmem:s26], [sflag:$0x2] =	stream.indirect_vreg.gather [hbm4b:s8+s2], $0x80, v3, vm0, $0xb8;
	[tilespmem:$0x1F300] =	vst v63  }
0x272: {  	v3 =	vld.msk [tilespmem:s25+$0xD8], $0xff;
	_ =	sdelay $0x4  }
0x273: {  	v63 =	vshll.u32 v3, $0x3  }
0x274: {  	v3 =	vand.u32 $0x7, v3;
	v4 =	vand.u32 $0xFFFFFFC0, v63  }
0x275: {  	v3 =	vor.u32 v3, v4  }
0x276: {  	v3 =	vperm.xlane v3, v0;
	_ =	sdelay $0x1  }
0x277: {  	v3 =	vadd.s32 v1, v3;
	_ =	sdelay $0x3  }
0x278: {  	s28 =	simm.s32 $0x1B300  }
0x279: {  	[tilespmem:s28], [sflag:$0x2] =	stream.indirect_vreg.gather [hbm4b:s3+s2], $0x80, v3, vm0, $0xb8;
	[tilespmem:$0x1F300] =	vst v63  }
0x27a: {  	s29 =	simm.s32 $0x1BB00  }
0x27b: {  	[tilespmem:s29], [sflag:$0x2] =	stream.indirect_vreg.gather [hbm4b:s5+s2], $0x80, v3, vm0, $0xb8;
	[tilespmem:$0x1F300] =	vst v63  }
.Ltmp8:
0x27c: {  	_ = 	snop;
	(pc) =	sbr.rel .LBB2_2-.Ltmp8, $4  }
0x27d: {  	s30 =	simm.s32 $0x1C300  }
0x27e: {  	[tilespmem:s30], [sflag:$0x2] =	stream.indirect_vreg.gather [hbm4b:s6+s2], $0x80, v3, vm0, $0xb8;
	[tilespmem:$0x1F300] =	vst v63  }
0x27f: {  	s24 =	sadd.s32 $0x1, s24;
	s31 =	simm.s32 $0x1CB00  }
0x280: {  	[tilespmem:s31], [sflag:$0x2] =	stream.indirect_vreg.gather [hbm4b:s8+s2], $0x80, v3, vm0, $0xb8;
	[tilespmem:$0x1F300] =	vst v63  }
.LBB2_15:
0x281: {  	_ =	sfence.sel $0x180000  }
0x282: {  	[bflag:$0x0] =	sbarrier.arrive $0xFFFF  }
0x283: {  	_ =	strace $0x9000004A  }
0x284: {  	s0 =	stileid.u32;
	[bflag:$0x2] =	sbarrier.arrive $0xFFFF  }
0x285: {  	p0 =	sne.s32 s0, $0x0;
	s0 =	rddreg [dreg:$0x2]  }
0x286: {  	s0 =	sadd.s32 @!p0 $0x100000, s0  }
0x287: {  	[sflag:s0] =	ssyncadd.tile.s32 @!p0 $0x1;
	_ =	shalt  }
.Lfunc_end2:
_tile_overlayer_lowered:
.L_overlay_start_2:
0x288: {  	(tag) =	ssettag $0x2  }
0x289: {  	s0 =	rddreg [dreg:$0x0];
	s2 =	stileid.u32  }
0x28a: {  	s1 =	rddreg [dreg:$0x1];
	p0 =	sne.s32 s2, $0x0  }
0x28b: {  	s3 =	rddreg [dreg:$0x2];
	[bflag:$0x3] =	sbarrier.arrive $0xFFFF;
	s2 =	simm.s32 @!p0 $0x1C03  }
0x28c: {  	[timem:s3], [sflag:s2] =	dma.local @!p0 [hbm:s0], s1  }
0x28d: {  	s0 =	simm.s32 @!p0 $0x3  }
0x28e: {  	_ =	swait.ge @!p0 [sflag:s0], s1  }
0x28f: {  	s1 =	ssub.s32 @!p0 $0x0, s1;
	[sflag:s0] =	ssyncset.done @!p0 $0x0  }
0x290: {  	[sflag:s0] =	ssyncadd.s32 @!p0 s1  }
0x291: {  	[bflag:$0x3] =	sbarrier.arrive $0xFFFF  }
0x292: {  	_ =	shalt  }

// kernel: sparse-core-data-format-call.cloned.1.call-start
scs
called_computation_lowered:
.L_overlay_start_0:
0x0: {  	s1 =	sld [smem:$0x3FD9]  }
0x1: {  	s2 =	sld [smem:$0x3FFE];
	_ =	sdelay $0x1  }
0x2: {  	s3 =	srdreg.scid  }
0x3: {  	s0 =	sand.u32 $0x1, s3  }
0x4: {  	s17 =	sshll.u32 s0, $0xA;
	s1 =	sadd.s32 s2, s1  }
0x5: {  	s1 =	sadd.s32 s1, s17  }
0x6: {  	[smem:$0x3FC5] =	sst s1  }
0x7: {  	_ = 	snop  }
0x8: {  	(tm) =	ssettm $0x1  }
0x9: {  	s18 =	sld [smem:$0x3FFB];
	_ =	sdelay $0x3  }
0xa: {  	_ =	strace s18  }
0xb: {  	s1 =	sld [smem:$0x3FFC];
	_ =	sdelay $0x3  }
0xc: {  	_ =	strace s1  }
0xd: {  	s1 =	sld [smem:$0x3FFD];
	_ =	sdelay $0x3  }
0xe: {  	_ =	strace s1  }
0xf: {  	_ =	strace $0x8FFFFFFF  }
0x10: {  	s19 =	sld [smem:$0x3FDB];
	_ =	sdelay $0x1  }
0x11: {  	s20 =	simm.s32 $_scs_section_size  }
0x12: {  	s4 =	simm.s32 $_size__tile_overlayer_lowered;
	s5 =	simm.s32 $_tile_overlayer_lowered  }
0x13: {  	s23 =	simm.s32 $0x1BFF;
	s22 =	sshll.u32 s5, $0x1;
	s1 =	sadd.s32 s20, s19  }
0x14: {  	s6 =	simm.s32 $0x0;
	s21 =	sshll.u32 s4, $0x1;
	s4 =	sadd.s32 s22, s1  }
0x15: {  	[timem:s6], [sflag:s23] =	dma.local [hbm:s4], s21  }
0x16: {  	_ =	swait.ge [sflag:s23], s21  }
0x17: {  	s2 =	ssub.s32 $0x0, s21;
	[sflag:s23] =	ssyncset.done $0x0  }
0x18: {  	[sflag:s23] =	ssyncadd.s32 s2;
	_ =	sdelay $0x1  }
0x19: {  	s24 =	simm.s32 $0x1B8B  }
0x1a: {  	_ =	swait.ge [sflag:s24], $0x1  }
0x1b: {  	[sflag:s24] =	ssyncset.done $0x0  }
0x1c: {  	s26 =	simm.s32 $0x1B8E;
	s25 =	sld [smem:$0x3FFE];
	[sflag:s24] =	ssyncadd.s32 $0xFFFFFFFF  }
0x1d: {  	s27 =	simm.s32 $execute0_lowered;
	[smem:$0x3FD2] =	sst s26  }
0x1e: {  	s4 =	sshll.u32 s27, $0x1;
	_ =	strace $0x80000046;
	[dreg:$0x1] =	wrdreg $0xFFFFFFFF  }
0x1f: {  	s28 =	simm.s32 $_size_execute0_lowered;
	s1 =	sadd.s32 s1, s4;
	[dreg:$0x0] =	wrdreg $0x0  }
0x20: {  	s4 =	sshll.u32 s28, $0x1;
	[dreg:$0x2] =	wrdreg s1  }
0x21: {  	[dreg:$0x3] =	wrdreg s4  }
0x22: {  	[dreg:$0x4] =	wrdreg $0xC0  }
0x23: {  	_ =	task [dreg:s6], $0x5FFFF  }
0x24: {  	[dreg:$0x1] =	wrdreg $0xFFFFFFFF  }
0x25: {  	[dreg:$0x0] =	wrdreg $0x60  }
0x26: {  	[dreg:$0x2] =	wrdreg s25  }
0x27: {  	[dreg:$0x3] =	wrdreg $0x9  }
0x28: {  	_ =	task.clear_ibuf [dreg:s6], $0x4FFFF;
	_ =	strace $0x90000046  }
0x29: {  	s29 =	simm.s32 $0x9;
	_ =	strace $0x80000048  }
0x2a: {  	_ =	swait.ge [sflag:s29], $0x1  }
0x2b: {  	[sflag:s29] =	ssyncadd.s32 $0xFFFFFFFF  }
0x2c: {  	_ =	strace $0x90000048  }
0x2d: {  	_ =	sfence  }
0x2e: {  	s30 =	sld [smem:$0x0];
	_ =	sdelay $0x2  }
0x2f: {  	s31 =	sshll.u32 s3, $0xD;
	s3 =	sshrl.u32 s3, $0x2  }
0x30: {  	s2 =	sand.u32 $0x4000, s31;
	s1 =	sadd.s32 s3, s30  }
0x31: {  	s0 =	sor.u32 s2, s0;
	s1 =	sshll.u32 s1, $0x11  }
0x32: {  	s0 =	sor.u32 s1, s0  }
0x33: {  	s0 =	sadd.s32 $0x8F2B, s0  }
0x34: {  	[sflag:s0] =	ssyncadd.remote.s32 $0x1  }
0x35: {  	_ =	sfence.sel $0xFFFF  }
0x36: {  	[dreg:$0x0] =	wrdreg $0xFFFFFFFF;
	(pc) =	sbr.abs _section_cstart, $3  }
0x37: {  	[dreg:$0x1] =	wrdreg $0xFFFFFFFF  }
0x38: {  	_ =	task.clear_ibuf [dreg:s6], $0x2FFFF;
	_ =	strace $0x9FFFFFFF  }
0x39: {  	(tm) =	ssettm $0x7FFFFFFF  }
tec
execute0_lowered:
.L_overlay_start_1:
0x0: {  	(tag) =	ssettag $0x1  }
0x1: {  	s0 =	srdreg.scid  }
0x2: {  	s5 =	rddreg [dreg:$0x0];
	s1 =	stileid.u32  }
0x3: {  	_ =	strace $0x80000047;
	s4 =	simm.s32 $0x1;
	s2 =	sshll.u32 s0, $0x4  }
0x4: {  	s6 =	simm.s32 $0x2;
	s8 =	simm.s32 $0x0;
	s2 =	sand.u32 $0x10, s2  }
.Ltmp0:
0x5: {  	s9 =	simm.s32 $0x0;
	s3 =	sor.u32 s1, s2;
	(pc) =	sbr.rel .LBB1_1-.Ltmp0, $4  }
0x6: {  	s13 =	simm.s32 $0x0;
	s10 =	simm.s32 $0x0;
	s3 =	sshll.u32 s3, $0x1  }
0x7: {  	s12 =	simm.s32 $0x0;
	[sflag:s4] =	ssyncpa.u1 $0x0;
	s7 =	ssub.s32 $0x1400, s3  }
0x8: {  	[sflag:s6] =	ssyncpa.u1 $0x0;
	s2 =	sadd.s32 $0xC00, s5;
	s6 =	sshrl.u32 s7, $0x6  }
0x9: {  	s5 =	sadd.s32 $0x501000, s5;
	s11 =	smov.u32 s3;
	s7 =	sadd.s32 $0x2, s6  }
.LBB1_9:
0xa: {  	s0 =	sshll.u32 s10, $0xA  }
0xb: {  	s15 =	sor.u32 $0x8000, s16;
	s0 =	sadd.s32 s5, s0  }
0xc: {  	[hbm4b:s0+s8] =	stream.linear.scatter [tilespmem:s15], [sflag:$0x2], s14, $0x38;
	[tilespmem:$0x10000] =	vst v63  }
.LBB1_10:
0xd: {  	p0 =	slt.u32 s12, $0x2  }
0xe: {  	p1 =	sgt.s32 @!p0 s13, $0x13FF  }
0xf: {  	s0 =	smov.u32 s13;
	s14 =	sshra.s32 @!p0 s13, $0x1F;
	p1 =	por !p1, p0  }
0x10: {  	s13 =	sand.u32 @!p0 s14, s13;
	s0 =	simm.s32 @p1 $0x13FF  }
0x11: {  	s0 =	ssub.s32 @!p0 s0, s13  }
0x12: {  	s0 =	sadd.s32 @!p0 $0xFFFFEC01, s0  }
0x13: {  	s13 =	sshll.u32 @!p0 s0, $0xF  }
0x14: {  	p1 =	sgt.s32 @!p0 s0, $0x1;
	s0 =	ssub.s32 @!p0 $0x10000, s13  }
0x15: {  	s15 =	sadd.s32 $0x40, s11;
	p1 =	por !p1, p0;
	s0 =	sshrl.u32 @!p0 s0, $0x2  }
0x16: {  	s0 =	simm.s32 @!p1 $0x0;
	p1 =	sgt.s32 s15, $0x1400  }
0x17: {  	s15 =	smov.u32 @p1 s3;
	p1 =	sne.s32 s12, s7  }
.Ltmp1:
0x18: {  	_ = 	snop;
	(pc) =	sbr.rel @!p1 .LBB1_11-.Ltmp1, $4  }
0x19: {  	s14 =	simm.s32 @!p0 $0x2  }
0x1a: {  	s9 =	sadd.s32 $0x4000, s9;
	s13 =	smov.u32 s10;
	_ =	swait.ge @!p0 [sflag:s14], s0  }
0x1b: {  	s10 =	smov.u32 s11;
	s0 =	ssub.s32 @!p0 $0x0, s0;
	[sflag:s14] =	ssyncset.done @!p0 $0x0  }
0x1c: {  	s12 =	sadd.s32 $0x1, s12;
	s11 =	smov.u32 s15;
	[sflag:s14] =	ssyncadd.s32 @!p0 s0  }
.LBB1_1:
0x1d: {  	p0 =	sgt.u32 s12, s6  }
0x1e: {  	p1 =	sgt.s32 @!p0 s11, $0x13FF  }
0x1f: {  	s14 =	smov.u32 s11;
	s15 =	sshra.s32 @!p0 s11, $0x1F;
	p1 =	por !p1, p0  }
0x20: {  	s15 =	sand.u32 @!p0 s15, s11;
	s14 =	simm.s32 @p1 $0x13FF  }
0x21: {  	s14 =	ssub.s32 @!p0 s14, s15  }
0x22: {  	s14 =	sadd.s32 @!p0 $0xFFFFEC01, s14  }
0x23: {  	s17 =	simm.s32 @!p0 $0x0;
	s15 =	sxor.u32 @!p0 $0xFFFFFFFF, s12;
	s16 =	sshll.u32 @!p0 s14, $0xF  }
0x24: {  	s15 =	sshll.u32 @!p0 s15, $0xE;
	p1 =	sgt.s32 @!p0 s14, $0x1;
	s14 =	ssub.s32 @!p0 $0x10000, s16  }
0x25: {  	p1 =	por !p1, p0;
	s16 =	sshll.u32 @!p0 s11, $0xA;
	s14 =	sshrl.u32 @!p0 s14, $0x2  }
0x26: {  	s15 =	sand.u32 @!p0 $0x4000, s15;
	s16 =	sadd.s32 @!p0 s2, s16;
	s14 =	simm.s32 @!p1 $0x0  }
0x27: {  	[tilespmem:s15], [sflag:$0x1] =	stream.linear.gather @!p0 [hbm4b:s16+s17], s14, $0x38;
	[tilespmem:$0x10000] =	vst v63  }
0x28: {  	p0 =	seq.s32 s12, $0x0  }
0x29: {  	p1 =	sge.u32 @!p0 s12, s7  }
0x2a: {  	p0 =	por p0, p1  }
.Ltmp2:
0x2b: {  	_ = 	snop;
	(pc) =	sbr.rel @p0 .LBB1_10-.Ltmp2, $1  }
0x2c: {  	_ =	sdelay $0x3  }
0x2d: {  	p0 =	sgt.s32 s10, $0x13FF;
	s14 =	smov.u32 s10;
	s15 =	sshra.s32 s10, $0x1F  }
0x2e: {  	s14 =	simm.s32 @!p0 $0x13FF;
	s15 =	sand.u32 s15, s10  }
0x2f: {  	s14 =	ssub.s32 s14, s15  }
0x30: {  	s16 =	sadd.s32 $0x2, s10;
	s14 =	sadd.s32 $0xFFFFEC01, s14  }
0x31: {  	p1 =	slt.s32 s16, $0x1401;
	s30 =	sshll.u32 s14, $0xF  }
0x32: {  	s16 =	simm.s32 @!p1 $0x1401;
	s15 =	ssub.s32 $0x10000, s30  }
0x33: {  	p0 =	sgt.s32 s14, $0x1;
	s14 =	sshrl.u32 s15, $0x2;
	s15 =	ssub.s32 s16, s10  }
0x34: {  	s14 =	simm.s32 @p0 $0x0;
	p0 =	slt.s32 s15, $0x1  }
.Ltmp3:
0x35: {  	_ = 	snop;
	(pc) =	sbr.rel @p0 .LBB1_9-.Ltmp3, $4  }
0x36: {  	_ = 	snop  }
0x37: {  	_ =	swait.ge [sflag:s4], s14  }
0x38: {  	s31 =	sshll.u32 s12, $0xE;
	s17 =	ssub.s32 $0x0, s14;
	[sflag:s4] =	ssyncset.done $0x0  }
0x39: {  	s16 =	sand.u32 $0x4000, s31;
	[sflag:s4] =	ssyncadd.s32 s17  }
0x3a: {  	s19 =	sand.u32 $0x4000, s9;
	s20 =	simm.s32 $0x0  }
0x3b: {  	s17 =	sor.u32 $0x210, s19;
	s18 =	sor.u32 $0x8400, s19;
	s19 =	sor.u32 $0x8000, s19  }
.LBB1_4:
0x3c: {  	s21 =	sshll.u32 s20, $0xD;
	p0 =	por $0x0, $0x0;
	s22 =	smov.u32 s19  }
0x3d: {  	s23 =	simm.s32 $0x0;
	s24 =	smov.u32 s17;
	s25 =	simm.s32 $0x0  }
.LBB1_5:
0x3e: {  	s26 =	sshll.u32 s25, $0xA;
	s27 =	simm.s32 $0x1  }
0x3f: {  	s0 =	sshll.u32 s23, $0x2;
	v4 =	vld [tilespmem:s24+$0xFFFFFDF0];
	s26 =	sadd.s32 s21, s26;
	s27 =	simm.s32 @!p0 $0x0  }
0x40: {  	v0 =	vmov s22;
	v5 =	vld [tilespmem:s24+$0xFFFFFE00];
	v1 =	vmov s26;
	s26 =	sand.u32 $0xFFFFFC00, s0;
	s27 =	sshll.u32 s27, $0x9  }
0x41: {  	v6 =	vld [tilespmem:s24+$0xFFFFFE10];
	s26 =	sor.u32 s27, s26  }
0x42: {  	s28 =	simm.s32 $0x0;
	v8 =	vld [tilespmem:s24+$0xFFFFFE20];
	s26 =	sshrl.u32 s26, $0x2  }
0x43: {  	v9 =	vld [tilespmem:s24+$0xFFFFFE30];
	s29 =	sand.u32 $0x100, s28;
	s26 =	sadd.s32 s26, s18  }
0x44: {  	v10 =	vld [tilespmem:s24+$0xFFFFFE40];
	s27 =	sand.u32 $0x80, s28;
	s28 =	sadd.s32 s29, s16;
	v2 =	vmov s26;
	s26 =	simm.s32 $0x0  }
0x45: {  	v11 =	vld [tilespmem:s24+$0xFFFFFE50];
	s27 =	sadd.s32 s27, s28;
	[tilespmem:v0+s26+$0x0 ss:$0x1] =	vst.idx.msk $0xffff, v4  }
0x46: {  	v3 =	vld.idx.msk [tilespmem:v1+s27+$0x200 ss:$0x1], $0xffff;
	[tilespmem:v0+s26+$0x10 ss:$0x1] =	vst.idx.msk $0xffff, v5  }
0x47: {  	v7 =	vld [tilespmem:s24+$0xFFFFFE60];
	[tilespmem:v0+s26+$0x20 ss:$0x1] =	vst.idx.msk $0xffff, v6  }
0x48: {  	v6 =	vld [tilespmem:s24+$0x0];
	[tilespmem:v0+s26+$0x30 ss:$0x1] =	vst.idx.msk $0xffff, v8  }
0x49: {  	v5 =	vld [tilespmem:s24+$0x10];
	[tilespmem:v0+s26+$0x40 ss:$0x1] =	vst.idx.msk $0xffff, v9  }
0x4a: {  	[tilespmem:v0+s26+$0x50 ss:$0x1] =	vst.idx.msk $0xffff, v10;
	v4 =	vld [tilespmem:s24+$0x30]  }
0x4b: {  	s30 =	simm.s32 $0x4000;
	s29 =	simm.s32 $0x80;
	[tilespmem:v2+s26+$0x0 ss:$0x1] =	vst.idx.msk $0xffff, v3;
	v3 =	vld [tilespmem:s24+$0x20]  }
0x4c: {  	s31 =	sand.u32 $0x100, s29;
	s28 =	smov.u32 s24;
	s27 =	simm.s32 $0x2000;
	[tilespmem:v0+s26+$0x60 ss:$0x1] =	vst.idx.msk $0xffff, v11;
	v8 =	vld [tilespmem:s24+$0x40]  }
.LBB1_6:
0x4d: {  	p1 =	sne.s32 s30, $0x6000;
	s0 =	sand.u32 $0x80, s29;
	s31 =	sadd.s32 s31, s16;
	[tilespmem:v0+s26+$0x70 ss:$0x1] =	vst.idx.msk $0xffff, v7;
	v7 =	vld [tilespmem:s28+$0x50]  }
0x4e: {  	s0 =	sadd.s32 s0, s31;
	[tilespmem:v0+s26+$0x410 ss:$0x1] =	vst.idx.msk $0xffff, v6;
	v6 =	vld [tilespmem:s28+$0x60]  }
0x4f: {  	s28 =	sadd.s32 $0x80, s28;
	v9 =	vld.idx.msk [tilespmem:v1+s0+$0x200 ss:$0x1], $0xffff;
	[tilespmem:v0+s26+$0x420 ss:$0x1] =	vst.idx.msk $0xffff, v5  }
0x50: {  	v5 =	vld [tilespmem:s28+$0xFFFFFDF0];
	[tilespmem:v0+s26+$0x430 ss:$0x1] =	vst.idx.msk $0xffff, v3  }
0x51: {  	v3 =	vld [tilespmem:s28+$0xFFFFFE00];
	[tilespmem:v0+s26+$0x440 ss:$0x1] =	vst.idx.msk $0xffff, v4  }
0x52: {  	v4 =	vld [tilespmem:s28+$0xFFFFFE10];
	[tilespmem:v0+s26+$0x450 ss:$0x1] =	vst.idx.msk $0xffff, v8  }
0x53: {  	v8 =	vld [tilespmem:s28+$0xFFFFFE20];
	[tilespmem:v0+s26+$0x460 ss:$0x1] =	vst.idx.msk $0xffff, v7  }
0x54: {  	v10 =	vld [tilespmem:s28+$0xFFFFFE30];
	[tilespmem:v0+s26+$0x470 ss:$0x1] =	vst.idx.msk $0xffff, v6;
	s26 =	sshra.s32 s27, $0x2;
	s27 =	smov.u32 s30  }
0x55: {  	v11 =	vld [tilespmem:s28+$0xFFFFFE40];
	[tilespmem:v2+s26+$0x0 ss:$0x1] =	vst.idx.msk $0xffff, v9  }
0x56: {  	[tilespmem:v0+s26+$0x0 ss:$0x1] =	vst.idx.msk $0xffff, v5;
	v9 =	vld [tilespmem:s28+$0xFFFFFE50]  }
0x57: {  	[tilespmem:v0+s26+$0x10 ss:$0x1] =	vst.idx.msk $0xffff, v3;
	v7 =	vld [tilespmem:s28+$0xFFFFFE60]  }
.Ltmp4:
0x58: {  	[tilespmem:v0+s26+$0x20 ss:$0x1] =	vst.idx.msk $0xffff, v4;
	v6 =	vld [tilespmem:s28+$0x0];
	(pc) =	sbr.rel @p1 .LBB1_6-.Ltmp4, $4  }
0x59: {  	[tilespmem:v0+s26+$0x30 ss:$0x1] =	vst.idx.msk $0xffff, v8;
	v5 =	vld [tilespmem:s28+$0x10]  }
0x5a: {  	[tilespmem:v0+s26+$0x40 ss:$0x1] =	vst.idx.msk $0xffff, v10;
	v3 =	vld [tilespmem:s28+$0x20]  }
0x5b: {  	s29 =	sadd.s32 $0x80, s29;
	[tilespmem:v0+s26+$0x50 ss:$0x1] =	vst.idx.msk $0xffff, v11;
	v4 =	vld [tilespmem:s28+$0x30]  }
0x5c: {  	s31 =	sand.u32 $0x100, s29;
	s30 =	sadd.s32 $0x2000, s30;
	[tilespmem:v0+s26+$0x60 ss:$0x1] =	vst.idx.msk $0xffff, v9;
	v8 =	vld [tilespmem:s28+$0x40]  }
0x5d: {  	_ =	sdelay $0x3  }
0x5e: {  	[tilespmem:v0+s26+$0x70 ss:$0x1] =	vst.idx.msk $0xffff, v7  }
0x5f: {  	v47 =	vld [tilespmem:s28+$0x50];
	[tilespmem:v0+s26+$0x410 ss:$0x1] =	vst.idx.msk $0xffff, v6  }
0x60: {  	s30 =	sadd.s32 s31, s16;
	v48 =	vld [tilespmem:s28+$0x60];
	s31 =	sadd.s32 $0x80, s28;
	[tilespmem:v0+s26+$0x420 ss:$0x1] =	vst.idx.msk $0xffff, v5  }
0x61: {  	v49 =	vld [tilespmem:s31+$0xFFFFFDF0];
	[tilespmem:v0+s26+$0x430 ss:$0x1] =	vst.idx.msk $0xffff, v3  }
0x62: {  	v50 =	vld [tilespmem:s31+$0xFFFFFE00];
	[tilespmem:v0+s26+$0x440 ss:$0x1] =	vst.idx.msk $0xffff, v4  }
0x63: {  	v51 =	vld [tilespmem:s31+$0xFFFFFE10];
	[tilespmem:v0+s26+$0x450 ss:$0x1] =	vst.idx.msk $0xffff, v8  }
0x64: {  	v52 =	vld [tilespmem:s31+$0xFFFFFE20];
	[tilespmem:v0+s26+$0x460 ss:$0x1] =	vst.idx.msk $0xffff, v47  }
0x65: {  	s27 =	sshra.s32 s27, $0x2;
	v53 =	vld [tilespmem:s31+$0xFFFFFE30];
	[tilespmem:v0+s26+$0x470 ss:$0x1] =	vst.idx.msk $0xffff, v48  }
0x66: {  	v54 =	vld [tilespmem:s31+$0xFFFFFE40];
	[tilespmem:v0+s27+$0x0 ss:$0x1] =	vst.idx.msk $0xffff, v49  }
0x67: {  	v55 =	vld [tilespmem:s31+$0xFFFFFE50];
	[tilespmem:v0+s27+$0x10 ss:$0x1] =	vst.idx.msk $0xffff, v50  }
0x68: {  	v56 =	vld [tilespmem:s31+$0xFFFFFE60];
	[tilespmem:v0+s27+$0x20 ss:$0x1] =	vst.idx.msk $0xffff, v51  }
0x69: {  	v57 =	vld [tilespmem:s31+$0x0];
	[tilespmem:v0+s27+$0x30 ss:$0x1] =	vst.idx.msk $0xffff, v52  }
0x6a: {  	v58 =	vld [tilespmem:s31+$0x10];
	[tilespmem:v0+s27+$0x40 ss:$0x1] =	vst.idx.msk $0xffff, v53  }
0x6b: {  	v59 =	vld [tilespmem:s31+$0x20];
	[tilespmem:v0+s27+$0x50 ss:$0x1] =	vst.idx.msk $0xffff, v54  }
0x6c: {  	v60 =	vld [tilespmem:s31+$0x30];
	[tilespmem:v0+s27+$0x60 ss:$0x1] =	vst.idx.msk $0xffff, v55  }
0x6d: {  	v61 =	vld [tilespmem:s31+$0x40];
	[tilespmem:v0+s27+$0x70 ss:$0x1] =	vst.idx.msk $0xffff, v56  }
0x6e: {  	s0 =	sand.u32 $0x80, s29;
	v62 =	vld [tilespmem:s31+$0x50];
	[tilespmem:v0+s27+$0x410 ss:$0x1] =	vst.idx.msk $0xffff, v57  }
0x6f: {  	s25 =	sadd.s32 $0x1, s25;
	s0 =	sadd.s32 s0, s30;
	v63 =	vld [tilespmem:s31+$0x60];
	[tilespmem:v0+s27+$0x420 ss:$0x1] =	vst.idx.msk $0xffff, v58  }
0x70: {  	p1 =	sne.s32 s25, $0x8;
	v1 =	vld.idx.msk [tilespmem:v1+s0+$0x200 ss:$0x1], $0xffff;
	[tilespmem:v0+s27+$0x430 ss:$0x1] =	vst.idx.msk $0xffff, v59  }
.Ltmp5:
0x71: {  	[tilespmem:v0+s27+$0x440 ss:$0x1] =	vst.idx.msk $0xffff, v60;
	(pc) =	sbr.rel @p1 .LBB1_5-.Ltmp5, $4  }
0x72: {  	[tilespmem:v0+s27+$0x450 ss:$0x1] =	vst.idx.msk $0xffff, v61  }
0x73: {  	[tilespmem:v0+s27+$0x460 ss:$0x1] =	vst.idx.msk $0xffff, v62  }
0x74: {  	s24 =	sadd.s32 $0x400, s24;
	[tilespmem:v0+s27+$0x470 ss:$0x1] =	vst.idx.msk $0xffff, v63  }
0x75: {  	s23 =	sadd.s32 $0x80, s23;
	p0 =	por !p0, !p0;
	s22 =	sadd.s32 $0x80, s22;
	[tilespmem:v2+s27+$0x0 ss:$0x1] =	vst.idx.msk $0xffff, v1  }
0x76: {  	s20 =	sadd.s32 $0x1, s20  }
0x77: {  	p0 =	sne.s32 s20, s15  }
.Ltmp6:
0x78: {  	_ = 	snop;
	(pc) =	sbr.rel @p0 .LBB1_4-.Ltmp6, $4  }
.Ltmp7:
0x79: {  	_ = 	snop;
	(pc) =	sbr.rel @!p0 .LBB1_9-.Ltmp7, $4  }
0x7a: {  	_ = 	snop  }
0x7b: {  	_ = 	snop  }
0x7c: {  	s17 =	sadd.s32 $0x2000, s17;
	s18 =	sadd.s32 $0x2000, s18;
	s19 =	sadd.s32 $0x2000, s19  }
0x7d: {  	_ = 	snop  }
.LBB1_11:
0x7e: {  	_ =	sfence.sel $0x180000  }
0x7f: {  	s0 =	simm.s32 $0x1;
	[bflag:$0x0] =	sbarrier.arrive $0xFFFF  }
0x80: {  	s31 =	simm.s32 $0x2;
	[sflag:s0] =	ssyncpa.u1 $0x1  }
0x81: {  	[sflag:s31] =	ssyncpa.u1 $0x1  }
0x82: {  	_ =	strace $0x90000047  }
0x83: {  	[bflag:$0x2] =	sbarrier.arrive $0xFFFF  }
0x84: {  	p0 =	sne.s32 s1, $0x0;
	s0 =	rddreg [dreg:$0x1]  }
0x85: {  	s0 =	sadd.s32 @!p0 $0x100000, s0  }
0x86: {  	[sflag:s0] =	ssyncadd.tile.s32 @!p0 $0x1;
	_ =	shalt  }
.Lfunc_end1:
_tile_overlayer_lowered:
.L_overlay_start_2:
0x87: {  	(tag) =	ssettag $0x2  }
0x88: {  	s0 =	rddreg [dreg:$0x0];
	s2 =	stileid.u32  }
0x89: {  	s1 =	rddreg [dreg:$0x1];
	p0 =	sne.s32 s2, $0x0  }
0x8a: {  	s3 =	rddreg [dreg:$0x2];
	[bflag:$0x3] =	sbarrier.arrive $0xFFFF;
	s2 =	simm.s32 @!p0 $0x1C01  }
0x8b: {  	[timem:s3], [sflag:s2] =	dma.local @!p0 [hbm:s0], s1  }
0x8c: {  	s0 =	simm.s32 @!p0 $0x1  }
0x8d: {  	_ =	swait.ge @!p0 [sflag:s0], s1  }
0x8e: {  	s1 =	ssub.s32 @!p0 $0x0, s1;
	[sflag:s0] =	ssyncset.done @!p0 $0x0  }
0x8f: {  	[sflag:s0] =	ssyncadd.s32 @!p0 s1  }
0x90: {  	[bflag:$0x3] =	sbarrier.arrive $0xFFFF  }
0x91: {  	_ =	shalt  }

</sc_bundles>
